<compile_context>
chip_gen: v7x
topology: tpu7x:2x2x1
jax: 0.10.2.dev20260603
libtpu: 0.0.44.dev20260713+nightly
codegen_flags: <defaults>
</compile_context>

<pallas_src>
import jax
import jax.numpy as jnp
from jax import lax
from jax.experimental import pallas as pl
from jax.experimental.pallas import tpu as pltpu
from jax.experimental.pallas import tpu_sc as plsc

N = 10000
E = 320000
D = 128

NC = 2
NS = 16
CH = 128
CHPT = 80
EP = NC * NS * CHPT * CH
DEG_ROWS = N + 8
BN = 1000

CHPT0 = 128
CHPT1 = 32
CBLK = 8
ROWS_TOT = NS * (CHPT0 + CHPT1)
ROWS_PAD = NS * CHPT0 + (NS - 1) * CHPT1 + CHPT0
EPAD = ROWS_PAD * CH


def _make_sc_scatter(use_table):
    mesh = plsc.VectorSubcoreMesh(
        core_axis_name="c", subcore_axis_name="s",
        num_cores=NC, num_subcores=NS)

    out_type = jax.ShapeDtypeStruct((NC * N, D), jnp.float32)

    if use_table:
        scratch = [
            pltpu.VMEM((CHPT0 * CH,), jnp.int32),
            pltpu.VMEM((CBLK, CH), jnp.int32),
            pltpu.VMEM((CH, D), jnp.float32),
            pltpu.VMEM((CH, D), jnp.float32),
            pltpu.VMEM_SHARED((N, D), jnp.float32),
            pltpu.SemaphoreType.DMA,
            pltpu.SemaphoreType.DMA,
            pltpu.SemaphoreType.DMA,
            pltpu.SemaphoreType.DMA,
        ]

        def body(table_hbm, row_hbm, col_hbm, zeros_hbm, out_hbm,
                 row_v, col_v, buf0, buf1, acc, gs0, gs1, ss0, ss1):
            c = lax.axis_index("c")
            s = lax.axis_index("s")
            bufs = (buf0, buf1)
            gsems = (gs0, gs1)
            ssems = (ss0, ss1)
            nch = jnp.where(c == 0, CHPT0, CHPT1)
            crow = pl.multiple_of(c * (NS * CHPT0) + s * nch, CBLK)

            @pl.when(s < 10)
            def _():
                pltpu.sync_copy(zeros_hbm, acc.at[pl.ds(s * 1000, 1000)])
            plsc.subcore_barrier()

            pltpu.sync_copy(row_hbm.at[pl.ds(crow * CH, CHPT0 * CH)],
                            row_v)

            for b in range(2):
                pltpu.async_copy(table_hbm.at[row_v.at[pl.ds(b * CH, CH)]],
                                 bufs[b], gsems[b])

            def round_(r, carry):
                for b in range(2):
                    k = r * 2 + b
                    pltpu.make_async_copy(
                        table_hbm.at[row_v.at[pl.ds(k * CH, CH)]],
                        bufs[b], gsems[b]).wait()

                    @pl.when(k % CBLK == 0)
                    def _():
                        off = pl.multiple_of(crow + k, CBLK)
                        pltpu.sync_copy(col_hbm.at[pl.ds(off, CBLK)],
                                        col_v)

                    pltpu.async_copy(bufs[b], acc.at[col_v.at[k % CBLK]],
                                     ssems[b], add=True)
                    pltpu.make_async_copy(bufs[b], acc.at[col_v.at[k % CBLK]],
                                          ssems[b]).wait()

                    @pl.when(k + 2 < nch)
                    def _():
                        pltpu.async_copy(
                            table_hbm.at[row_v.at[pl.ds((k + 2) * CH, CH)]],
                            bufs[b], gsems[b])
                return carry

            lax.fori_loop(0, nch // 2, round_, 0)

            plsc.subcore_barrier()
            @pl.when(s < 10)
            def _():
                pltpu.sync_copy(acc.at[pl.ds(s * 1000, 1000)],
                                out_hbm.at[pl.ds(c * N + s * 1000, 1000)])

        return pl.kernel(body, out_type=out_type, mesh=mesh,
                         scratch_types=scratch)

    scratch = [
        pltpu.VMEM((CHPT, CH), jnp.int32),
        pltpu.VMEM((CH, D), jnp.float32),
        pltpu.VMEM_SHARED((DEG_ROWS, D), jnp.float32),
        pltpu.SemaphoreType.DMA,
    ]

    def body_deg(col_hbm, zeros_hbm, ones_hbm, out_hbm, col_v, gbuf, acc,
                 sem):
        c = lax.axis_index("c")
        s = lax.axis_index("s")

        @pl.when(s < 10)
        def _():
            pltpu.sync_copy(zeros_hbm, acc.at[pl.ds(s * 1000, 1000)])

        @pl.when(s == 10)
        def _():
            pltpu.sync_copy(zeros_hbm.at[pl.ds(0, DEG_ROWS - N)],
                            acc.at[pl.ds(N, DEG_ROWS - N)])
        plsc.subcore_barrier()
        pltpu.sync_copy(col_hbm.at[c, s], col_v)
        pltpu.sync_copy(ones_hbm, gbuf)

        def fire(j, carry):
            pltpu.async_copy(gbuf, acc.at[col_v.at[j]], sem, add=True)
            return carry

        lax.fori_loop(0, CHPT, fire, 0)

        def drain(j, carry):
            pltpu.make_async_copy(gbuf, acc.at[col_v.at[j]], sem).wait()
            return carry

        lax.fori_loop(0, CHPT, drain, 0)
        plsc.subcore_barrier()

        @pl.when(s < 10)
        def _():
            pltpu.sync_copy(acc.at[pl.ds(s * 1000, 1000)],
                            out_hbm.at[pl.ds(c * N + s * 1000, 1000)])

    return pl.kernel(body_deg, out_type=out_type, mesh=mesh,
                     scratch_types=scratch)


def _dis_from_partials(pd_a, pd_b):
    deg = pd_a[:, 0:1] + pd_b[:, 0:1] + 1.0
    return lax.rsqrt(deg)


def _tc_scale_matmul(pd_a, pd_b, x_ref, w_ref, out_ref):
    dis = _dis_from_partials(pd_a[...], pd_b[...])
    out_ref[...] = dis * jnp.dot(x_ref[...], w_ref[...],
                                 preferred_element_type=jnp.float32)


def _tc_mid(pd_a, pd_b, s_a, s_b, xws_ref, b_ref, w_ref, out_ref):
    dis = _dis_from_partials(pd_a[...], pd_b[...])
    t = dis * (s_a[...] + s_b[...] + xws_ref[...]) + b_ref[...]
    t = jnp.maximum(t, 0.0)
    out_ref[...] = dis * jnp.dot(t, w_ref[...],
                                 preferred_element_type=jnp.float32)


def _tc_final(pd_a, pd_b, s_a, s_b, xws_ref, b_ref, out_ref):
    dis = _dis_from_partials(pd_a[...], pd_b[...])
    out_ref[...] = dis * (s_a[...] + s_b[...] + xws_ref[...]) + b_ref[...]


def kernel(x, edge_index, W1, b1, W2, b2):
    row = edge_index[0]
    col = edge_index[1]
    pad = EP - E
    fill = EPAD - EP
    rowc = jnp.concatenate(
        [row, jnp.full((pad,), N, jnp.int32),
         jnp.zeros((fill,), jnp.int32)])
    colc = jnp.concatenate(
        [col, jnp.arange(pad, dtype=jnp.int32) % N,
         jnp.zeros((fill,), jnp.int32)]).reshape(ROWS_PAD, CH)
    colc_deg = jnp.concatenate(
        [col, jnp.full((pad,), N, jnp.int32)]).reshape(NC, NS, CHPT, CH)

    zeros_page = jnp.zeros((1000, D), jnp.float32)
    ones_d = jnp.ones((CH, D), jnp.float32)
    zrow = jnp.zeros((8, D), jnp.float32)
    b1r = b1.reshape(1, D)
    b2r = b2.reshape(1, D)

    deg_kernel = _make_sc_scatter(use_table=False)
    pd = deg_kernel(colc_deg, zeros_page, ones_d)
    scat = _make_sc_scatter(use_table=True)

    grid = (N // BN,)
    pd_a = pl.BlockSpec((BN, D), lambda i: (i, 0))
    pd_b = pl.BlockSpec((BN, D), lambda i: (i + N // BN, 0))
    full_d = pl.BlockSpec((BN, D), lambda i: (i, 0))
    wspec = pl.BlockSpec((D, D), lambda i: (0, 0))
    bspec = pl.BlockSpec((1, D), lambda i: (0, 0))
    out_nd = jax.ShapeDtypeStruct((N, D), jnp.float32)

    xws1 = pl.pallas_call(
        _tc_scale_matmul,
        grid=grid,
        in_specs=[pd_a, pd_b, full_d, wspec],
        out_specs=full_d,
        out_shape=out_nd,
    )(pd, pd, x, W1)

    s1 = scat(jnp.concatenate([xws1, zrow]), rowc, colc, zeros_page)

    xws2 = pl.pallas_call(
        _tc_mid,
        grid=grid,
        in_specs=[pd_a, pd_b, full_d, pd_b, full_d, bspec, wspec],
        out_specs=full_d,
        out_shape=out_nd,
    )(pd, pd, s1, s1, xws1, b1r, W2)

    s2 = scat(jnp.concatenate([xws2, zrow]), rowc, colc, zeros_page)

    out = pl.pallas_call(
        _tc_final,
        grid=grid,
        in_specs=[pd_a, pd_b, full_d, pd_b, full_d, bspec],
        out_specs=full_d,
        out_shape=out_nd,
    )(pd, pd, s2, s2, xws2, b2r)

    return out

# --- scband reference (transcript-rebuilt; emitter-appended) ---
"""Pipeline reference for scband-gcn-dgi-34110630265403 (READ-ONLY COPY).

The authoritative reference and input builder live on the scoring server;
editing this copy changes nothing except your own understanding.
"""

import jax, jax.numpy as jnp
import numpy as np

N = 10000
E = 320000
D_IN = 128
D_HID = 128
D_OUT = 128


def glorot(key, shape):
    fan_in, fan_out = shape[0], shape[1]
    limit = jnp.sqrt(6.0 / (fan_in + fan_out))
    return jax.random.uniform(key, shape, dtype=jnp.float32, minval=-limit, maxval=limit)


def setup_inputs(seed: int = 0) -> dict:
    key = jax.random.key(seed)
    k1, k2, k3, k4 = jax.random.split(key, 4)
    x = jax.random.normal(k1, (N, D_IN), dtype=jnp.float32)
    edge_index = jax.random.randint(k2, (2, E), 0, N, dtype=jnp.int32)
    W1 = glorot(k3, (D_IN, D_HID))
    b1 = jnp.zeros((D_HID,), dtype=jnp.float32)
    W2 = glorot(k4, (D_HID, D_OUT))
    b2 = jnp.zeros((D_OUT,), dtype=jnp.float32)
    return {"x": x, "edge_index": edge_index, "W1": W1, "b1": b1, "W2": W2, "b2": b2}


def gcn_conv(x, edge_index, W, b):
    n = x.shape[0]
    loops = jnp.arange(n, dtype=edge_index.dtype)
    ei = jnp.concatenate([edge_index, jnp.stack([loops, loops])], axis=1)
    row, col = ei[0], ei[1]
    # degree of target nodes (col)
    deg = jax.ops.segment_sum(jnp.ones_like(col, dtype=x.dtype), col, num_segments=n)
    deg_inv_sqrt = deg ** -0.5
    norm = deg_inv_sqrt[row] * deg_inv_sqrt[col]
    # message: norm * lin(x_j), x_j gathered from source nodes (row)
    msg = norm[:, None] * (x[row] @ W)
    # aggregate (add) at target nodes (col)
    out = jax.ops.segment_sum(msg, col, num_segments=n)
    return out + b


def reference(x, edge_index, W1, b1, W2, b2):
    h = gcn_conv(x, edge_index, W1, b1)
    h = jax.nn.relu(h)
    # dropout is a no-op in eval mode
    out = gcn_conv(h, edge_index, W2, b2)
    return out

if __name__ == "__main__":
    import jax
    _d = setup_inputs()
    print(jax.jit(kernel)(*tuple(_d.values())))

</pallas_src>

<mosaic_0001>
#map = affine_map<(d0, d1) -> (0, 0)>
#map1 = affine_map<(d0, d1) -> (0)>
module attributes {stable_mosaic.version = 14 : i64} {
  func.func @body(%arg0: i32, %arg1: i32, %arg2: memref<10008x128xf32, #tpu.memory_space<hbm>>, %arg3: memref<339968xi32, #tpu.memory_space<hbm>>, %arg4: memref<2656x128xi32, #tpu.memory_space<hbm>>, %arg5: memref<1000x128xf32, #tpu.memory_space<hbm>>, %arg6: memref<20000x128xf32, #tpu.memory_space<hbm>>, %arg7: memref<16384xi32, #tpu.memory_space<vmem>>, %arg8: memref<8x128xi32, #tpu.memory_space<vmem>>, %arg9: memref<128x128xf32, #tpu.memory_space<vmem>>, %arg10: memref<128x128xf32, #tpu.memory_space<vmem>>, %arg11: memref<10000x128xf32, #tpu.memory_space<vmem_shared>>, %arg12: memref<!tpu.dma_semaphore, #tpu.memory_space<semaphore_mem>>, %arg13: memref<!tpu.dma_semaphore, #tpu.memory_space<semaphore_mem>>, %arg14: memref<!tpu.dma_semaphore, #tpu.memory_space<semaphore_mem>>, %arg15: memref<!tpu.dma_semaphore, #tpu.memory_space<semaphore_mem>>) attributes {dimension_semantics = [#tpu.dimension_semantics<core_parallel>, #tpu.dimension_semantics<subcore_parallel>], iteration_bounds = array<i64: 2, 16>, scalar_prefetch = 0 : i64, scratch_operands = 9 : i64, tpu.core_type = #tpu.core_type<sc_vector_subcore>, window_params = [{transform_indices = #map}, {transform_indices = #map1}, {transform_indices = #map}, {transform_indices = #map}, {transform_indices = #map}]} {
    %eq3A = arith.constant 0 : i32
    %eq3A_0 = arith.cmpi eq, %arg0, %eq3A : i32
    %jit3A = arith.constant 128 : i32
    %jit3A_1 = arith.constant 32 : i32
    %select_n3A = arith.select %eq3A_0, %jit3A, %jit3A_1 : i32
    %mul3A = arith.constant 2048 : i32
    %mul3A_2 = arith.muli %arg0, %mul3A : i32
    %mul3A_3 = arith.muli %arg1, %select_n3A : i32
    %add3A = arith.addi %mul3A_2, %mul3A_3 : i32
    %multiple_of3A = tpu.assume_multiple %add3A, 8 : i32
    %lt3A = arith.constant 10 : i32
    %lt3A_4 = arith.cmpi slt, %arg1, %lt3A : i32
    %convert_element_type3A = arith.extui %lt3A_4 : i1 to i32
    %cond3A = arith.constant 0 : i32
    %cond3A_5 = arith.cmpi ne, %convert_element_type3A, %cond3A : i32
    scf.if %cond3A_5 {
      %mul3A_50 = arith.constant 1000 : i32
      %mul3A_51 = arith.muli %arg1, %mul3A_50 : i32
      "tpu.region"() ({
        %run_scoped3A = tpu.sem_alloc : memref<!tpu.dma_semaphore, #tpu.memory_space<semaphore_mem>>
        %dma_start3A_52 = arith.constant 0 : i32
        %dma_start3A_53 = tpu.memref_slice %arg11[%mul3A_51, %dma_start3A_52] : memref<10000x128xf32, #tpu.memory_space<vmem_shared>> -> memref<1000x128xf32, #tpu.memory_space<vmem_shared>>
        tpu.enqueue_dma source(%arg5 : memref<1000x128xf32, #tpu.memory_space<hbm>>) target(%dma_start3A_53 : memref<1000x128xf32, #tpu.memory_space<vmem_shared>>) target_semaphore(%run_scoped3A : memref<!tpu.dma_semaphore, #tpu.memory_space<semaphore_mem>>)
        %dma_wait3A = arith.constant 0 : i32
        %dma_wait3A_54 = tpu.memref_slice %arg11[%mul3A_51, %dma_wait3A] : memref<10000x128xf32, #tpu.memory_space<vmem_shared>> -> memref<1000x128xf32, #tpu.memory_space<vmem_shared>>
        tpu.wait_dma2 semaphore(%run_scoped3A : memref<!tpu.dma_semaphore, #tpu.memory_space<semaphore_mem>>) src(%arg5 : memref<1000x128xf32, #tpu.memory_space<hbm>>) dst(%dma_wait3A_54 : memref<1000x128xf32, #tpu.memory_space<vmem_shared>>)
        tpu.yield
      }) : () -> ()
    } else {
    }
    %barrier3A = arith.constant 0 : index
    tpu.barrier barrier_id(%barrier3A)
    %mul3A_6 = arith.constant 128 : i32
    %mul3A_7 = arith.muli %multiple_of3A, %mul3A_6 : i32
    "tpu.region"() ({
      %run_scoped3A = tpu.sem_alloc : memref<!tpu.dma_semaphore, #tpu.memory_space<semaphore_mem>>
      %dma_start3A_50 = tpu.memref_slice %arg3[%mul3A_7] : memref<339968xi32, #tpu.memory_space<hbm>> -> memref<16384xi32, #tpu.memory_space<hbm>>
      %dma_start3A_51 = tpu.memref_slice %arg3[%mul3A_7] : memref<339968xi32, #tpu.memory_space<hbm>> -> memref<16384xi32, #tpu.memory_space<hbm>>
      tpu.enqueue_dma source(%dma_start3A_51 : memref<16384xi32, #tpu.memory_space<hbm>>) target(%arg7 : memref<16384xi32, #tpu.memory_space<vmem>>) target_semaphore(%run_scoped3A : memref<!tpu.dma_semaphore, #tpu.memory_space<semaphore_mem>>)
      %dma_wait3A = tpu.memref_slice %arg3[%mul3A_7] : memref<339968xi32, #tpu.memory_space<hbm>> -> memref<16384xi32, #tpu.memory_space<hbm>>
      %dma_wait3A_52 = tpu.memref_slice %arg3[%mul3A_7] : memref<339968xi32, #tpu.memory_space<hbm>> -> memref<16384xi32, #tpu.memory_space<hbm>>
      tpu.wait_dma2 semaphore(%run_scoped3A : memref<!tpu.dma_semaphore, #tpu.memory_space<semaphore_mem>>) src(%dma_wait3A_52 : memref<16384xi32, #tpu.memory_space<hbm>>) dst(%arg7 : memref<16384xi32, #tpu.memory_space<vmem>>)
      tpu.yield
    }) : () -> ()
    %dma_start3A = arith.constant 0 : i32
    %dma_start3A_8 = tpu.memref_slice %arg7[%dma_start3A] : memref<16384xi32, #tpu.memory_space<vmem>> -> memref<128xi32, #tpu.memory_space<vmem>>
    %dma_start3A_9 = arith.constant 0 : i32
    %dma_start3A_10 = arith.constant 0 : i32
    %dma_start3A_11 = tpu.memref_slice %arg2[%dma_start3A_9, %dma_start3A_10] : memref<10008x128xf32, #tpu.memory_space<hbm>> -> memref<10008x128xf32, #tpu.memory_space<hbm>>
    tpu.enqueue_indirect_dma source(%dma_start3A_11 : memref<10008x128xf32, #tpu.memory_space<hbm>>) target(%arg9 : memref<128x128xf32, #tpu.memory_space<vmem>>) offsets(%dma_start3A_8 : memref<128xi32, #tpu.memory_space<vmem>>) semaphore(%arg12 : memref<!tpu.dma_semaphore, #tpu.memory_space<semaphore_mem>>)
    %dma_start3A_12 = arith.constant 128 : i32
    %dma_start3A_13 = tpu.memref_slice %arg7[%dma_start3A_12] : memref<16384xi32, #tpu.memory_space<vmem>> -> memref<128xi32, #tpu.memory_space<vmem>>
    %dma_start3A_14 = arith.constant 0 : i32
    %dma_start3A_15 = arith.constant 0 : i32
    %dma_start3A_16 = tpu.memref_slice %arg2[%dma_start3A_14, %dma_start3A_15] : memref<10008x128xf32, #tpu.memory_space<hbm>> -> memref<10008x128xf32, #tpu.memory_space<hbm>>
    tpu.enqueue_indirect_dma source(%dma_start3A_16 : memref<10008x128xf32, #tpu.memory_space<hbm>>) target(%arg10 : memref<128x128xf32, #tpu.memory_space<vmem>>) offsets(%dma_start3A_13 : memref<128xi32, #tpu.memory_space<vmem>>) semaphore(%arg13 : memref<!tpu.dma_semaphore, #tpu.memory_space<semaphore_mem>>)
    %jit3A_17 = arith.constant 2 : i32
    %div3A = arith.divsi %select_n3A, %jit3A_17 : i32
    %sign3A = arith.constant 0 : i32
    %sign3A_18 = arith.cmpi sgt, %select_n3A, %sign3A : i32
    %sign3A_19 = arith.extui %sign3A_18 : i1 to i32
    %sign3A_20 = arith.constant 0 : i32
    %sign3A_21 = arith.cmpi slt, %select_n3A, %sign3A_20 : i32
    %sign3A_22 = arith.extui %sign3A_21 : i1 to i32
    %sign3A_23 = arith.subi %sign3A_19, %sign3A_22 : i32
    %sign3A_24 = arith.constant 0 : i32
    %sign3A_25 = arith.cmpi sgt, %jit3A_17, %sign3A_24 : i32
    %sign3A_26 = arith.extui %sign3A_25 : i1 to i32
    %sign3A_27 = arith.constant 0 : i32
    %sign3A_28 = arith.cmpi slt, %jit3A_17, %sign3A_27 : i32
    %sign3A_29 = arith.extui %sign3A_28 : i1 to i32
    %sign3A_30 = arith.subi %sign3A_26, %sign3A_29 : i32
    %ne3A = arith.cmpi ne, %sign3A_23, %sign3A_30 : i32
    %rem3A = arith.remsi %select_n3A, %jit3A_17 : i32
    %ne3A_31 = arith.constant 0 : i32
    %ne3A_32 = arith.cmpi ne, %rem3A, %ne3A_31 : i32
    %and3A = arith.andi %ne3A, %ne3A_32 : i1
    %sub3A = arith.constant 1 : i32
    %sub3A_33 = arith.subi %div3A, %sub3A : i32
    %select_n3A_34 = arith.select %and3A, %sub3A_33, %div3A : i32
    %while3A = arith.constant 0 : i32
    %while3A_35 = arith.constant 0 : i32
    %while3A_36 = arith.subi %select_n3A_34, %while3A_35 : i32
    %while3A_37 = arith.addi %while3A_35, %while3A_36 : i32
    %while3A_38 = arith.constant 1 : i32
    %while3A_39 = arith.divsi %while3A_36, %while3A_38 : i32
    %while3A_40 = arith.muli %while3A_39, %while3A_38 : i32
    %while3A_41 = arith.addi %while3A_35, %while3A_40 : i32
    %while3A_42 = arith.constant 1 : i32
    scf.for %while3A_50 = %while3A_35 to %while3A_41 step %while3A_42  : i32 {
      %mul3A_51 = arith.constant 2 : i32
      %mul3A_52 = arith.muli %while3A_50, %mul3A_51 : i32
      %add3A_53 = arith.constant 0 : i32
      %add3A_54 = arith.addi %mul3A_52, %add3A_53 : i32
      %mul3A_55 = arith.constant 128 : i32
      %mul3A_56 = arith.muli %add3A_54, %mul3A_55 : i32
      %dma_wait3A = tpu.memref_slice %arg7[%mul3A_56] : memref<16384xi32, #tpu.memory_space<vmem>> -> memref<128xi32, #tpu.memory_space<vmem>>
      %dma_wait3A_57 = arith.constant 0 : i32
      %dma_wait3A_58 = arith.constant 0 : i32
      %dma_wait3A_59 = tpu.memref_slice %arg2[%dma_wait3A_57, %dma_wait3A_58] : memref<10008x128xf32, #tpu.memory_space<hbm>> -> memref<10008x128xf32, #tpu.memory_space<hbm>>
      tpu.wait_indirect_dma semaphore(%arg12 : memref<!tpu.dma_semaphore, #tpu.memory_space<semaphore_mem>>) src(%dma_wait3A_59 : memref<10008x128xf32, #tpu.memory_space<hbm>>) dst(%arg9 : memref<128x128xf32, #tpu.memory_space<vmem>>)
      %jit3A_60 = arith.constant 8 : i32
      %eq3A_61 = arith.constant 0 : i32
      %eq3A_62 = arith.cmpi eq, %jit3A_60, %eq3A_61 : i32
      %jit3A_63 = arith.constant 1 : i32
      %select_n3A_64 = arith.select %eq3A_62, %jit3A_63, %jit3A_60 : i32
      %rem3A_65 = arith.remsi %add3A_54, %select_n3A_64 : i32
      %ne3A_66 = arith.constant 0 : i32
      %ne3A_67 = arith.cmpi ne, %rem3A_65, %ne3A_66 : i32
      %lt3A_68 = arith.constant 0 : i32
      %lt3A_69 = arith.cmpi slt, %rem3A_65, %lt3A_68 : i32
      %lt3A_70 = arith.constant 0 : i32
      %lt3A_71 = arith.cmpi slt, %select_n3A_64, %lt3A_70 : i32
      %ne3A_72 = arith.xori %lt3A_69, %lt3A_71 : i1
      %and3A_73 = arith.andi %ne3A_72, %ne3A_67 : i1
      %add3A_74 = arith.addi %rem3A_65, %select_n3A_64 : i32
      %select_n3A_75 = arith.select %and3A_73, %add3A_74, %rem3A_65 : i32
      %eq3A_76 = arith.constant 0 : i32
      %eq3A_77 = arith.cmpi eq, %select_n3A_75, %eq3A_76 : i32
      %convert_element_type3A_78 = arith.extui %eq3A_77 : i1 to i32
      %cond3A_79 = arith.constant 0 : i32
      %cond3A_80 = arith.cmpi ne, %convert_element_type3A_78, %cond3A_79 : i32
      scf.if %cond3A_80 {
        %add3A_212 = arith.addi %multiple_of3A, %add3A_54 : i32
        %multiple_of3A_213 = tpu.assume_multiple %add3A_212, 8 : i32
        "tpu.region"() ({
          %run_scoped3A = tpu.sem_alloc : memref<!tpu.dma_semaphore, #tpu.memory_space<semaphore_mem>>
          %dma_start3A_214 = arith.constant 0 : i32
          %dma_start3A_215 = tpu.memref_slice %arg4[%multiple_of3A_213, %dma_start3A_214] : memref<2656x128xi32, #tpu.memory_space<hbm>> -> memref<8x128xi32, #tpu.memory_space<hbm>>
          %dma_start3A_216 = arith.constant 0 : i32
          %dma_start3A_217 = tpu.memref_slice %arg4[%multiple_of3A_213, %dma_start3A_216] : memref<2656x128xi32, #tpu.memory_space<hbm>> -> memref<8x128xi32, #tpu.memory_space<hbm>>
          tpu.enqueue_dma source(%dma_start3A_217 : memref<8x128xi32, #tpu.memory_space<hbm>>) target(%arg8 : memref<8x128xi32, #tpu.memory_space<vmem>>) target_semaphore(%run_scoped3A : memref<!tpu.dma_semaphore, #tpu.memory_space<semaphore_mem>>)
          %dma_wait3A_218 = arith.constant 0 : i32
          %dma_wait3A_219 = tpu.memref_slice %arg4[%multiple_of3A_213, %dma_wait3A_218] : memref<2656x128xi32, #tpu.memory_space<hbm>> -> memref<8x128xi32, #tpu.memory_space<hbm>>
          %dma_wait3A_220 = arith.constant 0 : i32
          %dma_wait3A_221 = tpu.memref_slice %arg4[%multiple_of3A_213, %dma_wait3A_220] : memref<2656x128xi32, #tpu.memory_space<hbm>> -> memref<8x128xi32, #tpu.memory_space<hbm>>
          tpu.wait_dma2 semaphore(%run_scoped3A : memref<!tpu.dma_semaphore, #tpu.memory_space<semaphore_mem>>) src(%dma_wait3A_221 : memref<8x128xi32, #tpu.memory_space<hbm>>) dst(%arg8 : memref<8x128xi32, #tpu.memory_space<vmem>>)
          tpu.yield
        }) : () -> ()
      } else {
      }
      %jit3A_81 = arith.constant 8 : i32
      %eq3A_82 = arith.constant 0 : i32
      %eq3A_83 = arith.cmpi eq, %jit3A_81, %eq3A_82 : i32
      %jit3A_84 = arith.constant 1 : i32
      %select_n3A_85 = arith.select %eq3A_83, %jit3A_84, %jit3A_81 : i32
      %rem3A_86 = arith.remsi %add3A_54, %select_n3A_85 : i32
      %ne3A_87 = arith.constant 0 : i32
      %ne3A_88 = arith.cmpi ne, %rem3A_86, %ne3A_87 : i32
      %lt3A_89 = arith.constant 0 : i32
      %lt3A_90 = arith.cmpi slt, %rem3A_86, %lt3A_89 : i32
      %lt3A_91 = arith.constant 0 : i32
      %lt3A_92 = arith.cmpi slt, %select_n3A_85, %lt3A_91 : i32
      %ne3A_93 = arith.xori %lt3A_90, %lt3A_92 : i1
      %and3A_94 = arith.andi %ne3A_93, %ne3A_88 : i1
      %add3A_95 = arith.addi %rem3A_86, %select_n3A_85 : i32
      %select_n3A_96 = arith.select %and3A_94, %add3A_95, %rem3A_86 : i32
      %dma_start3A_97 = arith.constant 0 : i32
      %dma_start3A_98 = tpu.memref_slice %arg8[%select_n3A_96, %dma_start3A_97] : memref<8x128xi32, #tpu.memory_space<vmem>> -> memref<1x128xi32, #tpu.memory_space<vmem>>
      %dma_start3A_99 = tpu.memref_squeeze %dma_start3A_98 : memref<1x128xi32, #tpu.memory_space<vmem>> -> memref<128xi32, #tpu.memory_space<vmem>>
      %dma_start3A_100 = arith.constant 0 : i32
      %dma_start3A_101 = arith.constant 0 : i32
      %dma_start3A_102 = tpu.memref_slice %arg11[%dma_start3A_100, %dma_start3A_101] : memref<10000x128xf32, #tpu.memory_space<vmem_shared>> -> memref<10000x128xf32, #tpu.memory_space<vmem_shared>>
      tpu.enqueue_indirect_dma source(%arg9 : memref<128x128xf32, #tpu.memory_space<vmem>>) target(%dma_start3A_102 : memref<10000x128xf32, #tpu.memory_space<vmem_shared>>) offsets(%dma_start3A_99 : memref<128xi32, #tpu.memory_space<vmem>>) semaphore(%arg14 : memref<!tpu.dma_semaphore, #tpu.memory_space<semaphore_mem>>) {add = true}
      %jit3A_103 = arith.constant 8 : i32
      %eq3A_104 = arith.constant 0 : i32
      %eq3A_105 = arith.cmpi eq, %jit3A_103, %eq3A_104 : i32
      %jit3A_106 = arith.constant 1 : i32
      %select_n3A_107 = arith.select %eq3A_105, %jit3A_106, %jit3A_103 : i32
      %rem3A_108 = arith.remsi %add3A_54, %select_n3A_107 : i32
      %ne3A_109 = arith.constant 0 : i32
      %ne3A_110 = arith.cmpi ne, %rem3A_108, %ne3A_109 : i32
      %lt3A_111 = arith.constant 0 : i32
      %lt3A_112 = arith.cmpi slt, %rem3A_108, %lt3A_111 : i32
      %lt3A_113 = arith.constant 0 : i32
      %lt3A_114 = arith.cmpi slt, %select_n3A_107, %lt3A_113 : i32
      %ne3A_115 = arith.xori %lt3A_112, %lt3A_114 : i1
      %and3A_116 = arith.andi %ne3A_115, %ne3A_110 : i1
      %add3A_117 = arith.addi %rem3A_108, %select_n3A_107 : i32
      %select_n3A_118 = arith.select %and3A_116, %add3A_117, %rem3A_108 : i32
      %dma_wait3A_119 = arith.constant 0 : i32
      %dma_wait3A_120 = tpu.memref_slice %arg8[%select_n3A_118, %dma_wait3A_119] : memref<8x128xi32, #tpu.memory_space<vmem>> -> memref<1x128xi32, #tpu.memory_space<vmem>>
      %dma_wait3A_121 = tpu.memref_squeeze %dma_wait3A_120 : memref<1x128xi32, #tpu.memory_space<vmem>> -> memref<128xi32, #tpu.memory_space<vmem>>
      %dma_wait3A_122 = arith.constant 0 : i32
      %dma_wait3A_123 = arith.constant 0 : i32
      %dma_wait3A_124 = tpu.memref_slice %arg11[%dma_wait3A_122, %dma_wait3A_123] : memref<10000x128xf32, #tpu.memory_space<vmem_shared>> -> memref<10000x128xf32, #tpu.memory_space<vmem_shared>>
      tpu.wait_indirect_dma semaphore(%arg14 : memref<!tpu.dma_semaphore, #tpu.memory_space<semaphore_mem>>) src(%arg9 : memref<128x128xf32, #tpu.memory_space<vmem>>) dst(%dma_wait3A_124 : memref<10000x128xf32, #tpu.memory_space<vmem_shared>>)
      %add3A_125 = arith.constant 2 : i32
      %add3A_126 = arith.addi %add3A_54, %add3A_125 : i32
      %lt3A_127 = arith.cmpi slt, %add3A_126, %select_n3A : i32
      %convert_element_type3A_128 = arith.extui %lt3A_127 : i1 to i32
      %cond3A_129 = arith.constant 0 : i32
      %cond3A_130 = arith.cmpi ne, %convert_element_type3A_128, %cond3A_129 : i32
      scf.if %cond3A_130 {
        %add3A_212 = arith.constant 2 : i32
        %add3A_213 = arith.addi %add3A_54, %add3A_212 : i32
        %mul3A_214 = arith.constant 128 : i32
        %mul3A_215 = arith.muli %add3A_213, %mul3A_214 : i32
        %dma_start3A_216 = tpu.memref_slice %arg7[%mul3A_215] : memref<16384xi32, #tpu.memory_space<vmem>> -> memref<128xi32, #tpu.memory_space<vmem>>
        %dma_start3A_217 = arith.constant 0 : i32
        %dma_start3A_218 = arith.constant 0 : i32
        %dma_start3A_219 = tpu.memref_slice %arg2[%dma_start3A_217, %dma_start3A_218] : memref<10008x128xf32, #tpu.memory_space<hbm>> -> memref<10008x128xf32, #tpu.memory_space<hbm>>
        tpu.enqueue_indirect_dma source(%dma_start3A_219 : memref<10008x128xf32, #tpu.memory_space<hbm>>) target(%arg9 : memref<128x128xf32, #tpu.memory_space<vmem>>) offsets(%dma_start3A_216 : memref<128xi32, #tpu.memory_space<vmem>>) semaphore(%arg12 : memref<!tpu.dma_semaphore, #tpu.memory_space<semaphore_mem>>)
      } else {
      }
      %mul3A_131 = arith.constant 2 : i32
      %mul3A_132 = arith.muli %while3A_50, %mul3A_131 : i32
      %add3A_133 = arith.constant 1 : i32
      %add3A_134 = arith.addi %mul3A_132, %add3A_133 : i32
      %mul3A_135 = arith.constant 128 : i32
      %mul3A_136 = arith.muli %add3A_134, %mul3A_135 : i32
      %dma_wait3A_137 = tpu.memref_slice %arg7[%mul3A_136] : memref<16384xi32, #tpu.memory_space<vmem>> -> memref<128xi32, #tpu.memory_space<vmem>>
      %dma_wait3A_138 = arith.constant 0 : i32
      %dma_wait3A_139 = arith.constant 0 : i32
      %dma_wait3A_140 = tpu.memref_slice %arg2[%dma_wait3A_138, %dma_wait3A_139] : memref<10008x128xf32, #tpu.memory_space<hbm>> -> memref<10008x128xf32, #tpu.memory_space<hbm>>
      tpu.wait_indirect_dma semaphore(%arg13 : memref<!tpu.dma_semaphore, #tpu.memory_space<semaphore_mem>>) src(%dma_wait3A_140 : memref<10008x128xf32, #tpu.memory_space<hbm>>) dst(%arg10 : memref<128x128xf32, #tpu.memory_space<vmem>>)
      %jit3A_141 = arith.constant 8 : i32
      %eq3A_142 = arith.constant 0 : i32
      %eq3A_143 = arith.cmpi eq, %jit3A_141, %eq3A_142 : i32
      %jit3A_144 = arith.constant 1 : i32
      %select_n3A_145 = arith.select %eq3A_143, %jit3A_144, %jit3A_141 : i32
      %rem3A_146 = arith.remsi %add3A_134, %select_n3A_145 : i32
      %ne3A_147 = arith.constant 0 : i32
      %ne3A_148 = arith.cmpi ne, %rem3A_146, %ne3A_147 : i32
      %lt3A_149 = arith.constant 0 : i32
      %lt3A_150 = arith.cmpi slt, %rem3A_146, %lt3A_149 : i32
      %lt3A_151 = arith.constant 0 : i32
      %lt3A_152 = arith.cmpi slt, %select_n3A_145, %lt3A_151 : i32
      %ne3A_153 = arith.xori %lt3A_150, %lt3A_152 : i1
      %and3A_154 = arith.andi %ne3A_153, %ne3A_148 : i1
      %add3A_155 = arith.addi %rem3A_146, %select_n3A_145 : i32
      %select_n3A_156 = arith.select %and3A_154, %add3A_155, %rem3A_146 : i32
      %eq3A_157 = arith.constant 0 : i32
      %eq3A_158 = arith.cmpi eq, %select_n3A_156, %eq3A_157 : i32
      %convert_element_type3A_159 = arith.extui %eq3A_158 : i1 to i32
      %cond3A_160 = arith.constant 0 : i32
      %cond3A_161 = arith.cmpi ne, %convert_element_type3A_159, %cond3A_160 : i32
      scf.if %cond3A_161 {
        %add3A_212 = arith.addi %multiple_of3A, %add3A_134 : i32
        %multiple_of3A_213 = tpu.assume_multiple %add3A_212, 8 : i32
        "tpu.region"() ({
          %run_scoped3A = tpu.sem_alloc : memref<!tpu.dma_semaphore, #tpu.memory_space<semaphore_mem>>
          %dma_start3A_214 = arith.constant 0 : i32
          %dma_start3A_215 = tpu.memref_slice %arg4[%multiple_of3A_213, %dma_start3A_214] : memref<2656x128xi32, #tpu.memory_space<hbm>> -> memref<8x128xi32, #tpu.memory_space<hbm>>
          %dma_start3A_216 = arith.constant 0 : i32
          %dma_start3A_217 = tpu.memref_slice %arg4[%multiple_of3A_213, %dma_start3A_216] : memref<2656x128xi32, #tpu.memory_space<hbm>> -> memref<8x128xi32, #tpu.memory_space<hbm>>
          tpu.enqueue_dma source(%dma_start3A_217 : memref<8x128xi32, #tpu.memory_space<hbm>>) target(%arg8 : memref<8x128xi32, #tpu.memory_space<vmem>>) target_semaphore(%run_scoped3A : memref<!tpu.dma_semaphore, #tpu.memory_space<semaphore_mem>>)
          %dma_wait3A_218 = arith.constant 0 : i32
          %dma_wait3A_219 = tpu.memref_slice %arg4[%multiple_of3A_213, %dma_wait3A_218] : memref<2656x128xi32, #tpu.memory_space<hbm>> -> memref<8x128xi32, #tpu.memory_space<hbm>>
          %dma_wait3A_220 = arith.constant 0 : i32
          %dma_wait3A_221 = tpu.memref_slice %arg4[%multiple_of3A_213, %dma_wait3A_220] : memref<2656x128xi32, #tpu.memory_space<hbm>> -> memref<8x128xi32, #tpu.memory_space<hbm>>
          tpu.wait_dma2 semaphore(%run_scoped3A : memref<!tpu.dma_semaphore, #tpu.memory_space<semaphore_mem>>) src(%dma_wait3A_221 : memref<8x128xi32, #tpu.memory_space<hbm>>) dst(%arg8 : memref<8x128xi32, #tpu.memory_space<vmem>>)
          tpu.yield
        }) : () -> ()
      } else {
      }
      %jit3A_162 = arith.constant 8 : i32
      %eq3A_163 = arith.constant 0 : i32
      %eq3A_164 = arith.cmpi eq, %jit3A_162, %eq3A_163 : i32
      %jit3A_165 = arith.constant 1 : i32
      %select_n3A_166 = arith.select %eq3A_164, %jit3A_165, %jit3A_162 : i32
      %rem3A_167 = arith.remsi %add3A_134, %select_n3A_166 : i32
      %ne3A_168 = arith.constant 0 : i32
      %ne3A_169 = arith.cmpi ne, %rem3A_167, %ne3A_168 : i32
      %lt3A_170 = arith.constant 0 : i32
      %lt3A_171 = arith.cmpi slt, %rem3A_167, %lt3A_170 : i32
      %lt3A_172 = arith.constant 0 : i32
      %lt3A_173 = arith.cmpi slt, %select_n3A_166, %lt3A_172 : i32
      %ne3A_174 = arith.xori %lt3A_171, %lt3A_173 : i1
      %and3A_175 = arith.andi %ne3A_174, %ne3A_169 : i1
      %add3A_176 = arith.addi %rem3A_167, %select_n3A_166 : i32
      %select_n3A_177 = arith.select %and3A_175, %add3A_176, %rem3A_167 : i32
      %dma_start3A_178 = arith.constant 0 : i32
      %dma_start3A_179 = tpu.memref_slice %arg8[%select_n3A_177, %dma_start3A_178] : memref<8x128xi32, #tpu.memory_space<vmem>> -> memref<1x128xi32, #tpu.memory_space<vmem>>
      %dma_start3A_180 = tpu.memref_squeeze %dma_start3A_179 : memref<1x128xi32, #tpu.memory_space<vmem>> -> memref<128xi32, #tpu.memory_space<vmem>>
      %dma_start3A_181 = arith.constant 0 : i32
      %dma_start3A_182 = arith.constant 0 : i32
      %dma_start3A_183 = tpu.memref_slice %arg11[%dma_start3A_181, %dma_start3A_182] : memref<10000x128xf32, #tpu.memory_space<vmem_shared>> -> memref<10000x128xf32, #tpu.memory_space<vmem_shared>>
      tpu.enqueue_indirect_dma source(%arg10 : memref<128x128xf32, #tpu.memory_space<vmem>>) target(%dma_start3A_183 : memref<10000x128xf32, #tpu.memory_space<vmem_shared>>) offsets(%dma_start3A_180 : memref<128xi32, #tpu.memory_space<vmem>>) semaphore(%arg15 : memref<!tpu.dma_semaphore, #tpu.memory_space<semaphore_mem>>) {add = true}
      %jit3A_184 = arith.constant 8 : i32
      %eq3A_185 = arith.constant 0 : i32
      %eq3A_186 = arith.cmpi eq, %jit3A_184, %eq3A_185 : i32
      %jit3A_187 = arith.constant 1 : i32
      %select_n3A_188 = arith.select %eq3A_186, %jit3A_187, %jit3A_184 : i32
      %rem3A_189 = arith.remsi %add3A_134, %select_n3A_188 : i32
      %ne3A_190 = arith.constant 0 : i32
      %ne3A_191 = arith.cmpi ne, %rem3A_189, %ne3A_190 : i32
      %lt3A_192 = arith.constant 0 : i32
      %lt3A_193 = arith.cmpi slt, %rem3A_189, %lt3A_192 : i32
      %lt3A_194 = arith.constant 0 : i32
      %lt3A_195 = arith.cmpi slt, %select_n3A_188, %lt3A_194 : i32
      %ne3A_196 = arith.xori %lt3A_193, %lt3A_195 : i1
      %and3A_197 = arith.andi %ne3A_196, %ne3A_191 : i1
      %add3A_198 = arith.addi %rem3A_189, %select_n3A_188 : i32
      %select_n3A_199 = arith.select %and3A_197, %add3A_198, %rem3A_189 : i32
      %dma_wait3A_200 = arith.constant 0 : i32
      %dma_wait3A_201 = tpu.memref_slice %arg8[%select_n3A_199, %dma_wait3A_200] : memref<8x128xi32, #tpu.memory_space<vmem>> -> memref<1x128xi32, #tpu.memory_space<vmem>>
      %dma_wait3A_202 = tpu.memref_squeeze %dma_wait3A_201 : memref<1x128xi32, #tpu.memory_space<vmem>> -> memref<128xi32, #tpu.memory_space<vmem>>
      %dma_wait3A_203 = arith.constant 0 : i32
      %dma_wait3A_204 = arith.constant 0 : i32
      %dma_wait3A_205 = tpu.memref_slice %arg11[%dma_wait3A_203, %dma_wait3A_204] : memref<10000x128xf32, #tpu.memory_space<vmem_shared>> -> memref<10000x128xf32, #tpu.memory_space<vmem_shared>>
      tpu.wait_indirect_dma semaphore(%arg15 : memref<!tpu.dma_semaphore, #tpu.memory_space<semaphore_mem>>) src(%arg10 : memref<128x128xf32, #tpu.memory_space<vmem>>) dst(%dma_wait3A_205 : memref<10000x128xf32, #tpu.memory_space<vmem_shared>>)
      %add3A_206 = arith.constant 2 : i32
      %add3A_207 = arith.addi %add3A_134, %add3A_206 : i32
      %lt3A_208 = arith.cmpi slt, %add3A_207, %select_n3A : i32
      %convert_element_type3A_209 = arith.extui %lt3A_208 : i1 to i32
      %cond3A_210 = arith.constant 0 : i32
      %cond3A_211 = arith.cmpi ne, %convert_element_type3A_209, %cond3A_210 : i32
      scf.if %cond3A_211 {
        %add3A_212 = arith.constant 2 : i32
        %add3A_213 = arith.addi %add3A_134, %add3A_212 : i32
        %mul3A_214 = arith.constant 128 : i32
        %mul3A_215 = arith.muli %add3A_213, %mul3A_214 : i32
        %dma_start3A_216 = tpu.memref_slice %arg7[%mul3A_215] : memref<16384xi32, #tpu.memory_space<vmem>> -> memref<128xi32, #tpu.memory_space<vmem>>
        %dma_start3A_217 = arith.constant 0 : i32
        %dma_start3A_218 = arith.constant 0 : i32
        %dma_start3A_219 = tpu.memref_slice %arg2[%dma_start3A_217, %dma_start3A_218] : memref<10008x128xf32, #tpu.memory_space<hbm>> -> memref<10008x128xf32, #tpu.memory_space<hbm>>
        tpu.enqueue_indirect_dma source(%dma_start3A_219 : memref<10008x128xf32, #tpu.memory_space<hbm>>) target(%arg10 : memref<128x128xf32, #tpu.memory_space<vmem>>) offsets(%dma_start3A_216 : memref<128xi32, #tpu.memory_space<vmem>>) semaphore(%arg13 : memref<!tpu.dma_semaphore, #tpu.memory_space<semaphore_mem>>)
      } else {
      }
    }
    %while3A_43 = arith.constant 1 : i32
    scf.for %while3A_50 = %while3A_41 to %while3A_37 step %while3A_43  : i32 {
      %mul3A_51 = arith.constant 2 : i32
      %mul3A_52 = arith.muli %while3A_50, %mul3A_51 : i32
      %add3A_53 = arith.constant 0 : i32
      %add3A_54 = arith.addi %mul3A_52, %add3A_53 : i32
      %mul3A_55 = arith.constant 128 : i32
      %mul3A_56 = arith.muli %add3A_54, %mul3A_55 : i32
      %dma_wait3A = tpu.memref_slice %arg7[%mul3A_56] : memref<16384xi32, #tpu.memory_space<vmem>> -> memref<128xi32, #tpu.memory_space<vmem>>
      %dma_wait3A_57 = arith.constant 0 : i32
      %dma_wait3A_58 = arith.constant 0 : i32
      %dma_wait3A_59 = tpu.memref_slice %arg2[%dma_wait3A_57, %dma_wait3A_58] : memref<10008x128xf32, #tpu.memory_space<hbm>> -> memref<10008x128xf32, #tpu.memory_space<hbm>>
      tpu.wait_indirect_dma semaphore(%arg12 : memref<!tpu.dma_semaphore, #tpu.memory_space<semaphore_mem>>) src(%dma_wait3A_59 : memref<10008x128xf32, #tpu.memory_space<hbm>>) dst(%arg9 : memref<128x128xf32, #tpu.memory_space<vmem>>)
      %jit3A_60 = arith.constant 8 : i32
      %eq3A_61 = arith.constant 0 : i32
      %eq3A_62 = arith.cmpi eq, %jit3A_60, %eq3A_61 : i32
      %jit3A_63 = arith.constant 1 : i32
      %select_n3A_64 = arith.select %eq3A_62, %jit3A_63, %jit3A_60 : i32
      %rem3A_65 = arith.remsi %add3A_54, %select_n3A_64 : i32
      %ne3A_66 = arith.constant 0 : i32
      %ne3A_67 = arith.cmpi ne, %rem3A_65, %ne3A_66 : i32
      %lt3A_68 = arith.constant 0 : i32
      %lt3A_69 = arith.cmpi slt, %rem3A_65, %lt3A_68 : i32
      %lt3A_70 = arith.constant 0 : i32
      %lt3A_71 = arith.cmpi slt, %select_n3A_64, %lt3A_70 : i32
      %ne3A_72 = arith.xori %lt3A_69, %lt3A_71 : i1
      %and3A_73 = arith.andi %ne3A_72, %ne3A_67 : i1
      %add3A_74 = arith.addi %rem3A_65, %select_n3A_64 : i32
      %select_n3A_75 = arith.select %and3A_73, %add3A_74, %rem3A_65 : i32
      %eq3A_76 = arith.constant 0 : i32
      %eq3A_77 = arith.cmpi eq, %select_n3A_75, %eq3A_76 : i32
      %convert_element_type3A_78 = arith.extui %eq3A_77 : i1 to i32
      %cond3A_79 = arith.constant 0 : i32
      %cond3A_80 = arith.cmpi ne, %convert_element_type3A_78, %cond3A_79 : i32
      scf.if %cond3A_80 {
        %add3A_212 = arith.addi %multiple_of3A, %add3A_54 : i32
        %multiple_of3A_213 = tpu.assume_multiple %add3A_212, 8 : i32
        "tpu.region"() ({
          %run_scoped3A = tpu.sem_alloc : memref<!tpu.dma_semaphore, #tpu.memory_space<semaphore_mem>>
          %dma_start3A_214 = arith.constant 0 : i32
          %dma_start3A_215 = tpu.memref_slice %arg4[%multiple_of3A_213, %dma_start3A_214] : memref<2656x128xi32, #tpu.memory_space<hbm>> -> memref<8x128xi32, #tpu.memory_space<hbm>>
          %dma_start3A_216 = arith.constant 0 : i32
          %dma_start3A_217 = tpu.memref_slice %arg4[%multiple_of3A_213, %dma_start3A_216] : memref<2656x128xi32, #tpu.memory_space<hbm>> -> memref<8x128xi32, #tpu.memory_space<hbm>>
          tpu.enqueue_dma source(%dma_start3A_217 : memref<8x128xi32, #tpu.memory_space<hbm>>) target(%arg8 : memref<8x128xi32, #tpu.memory_space<vmem>>) target_semaphore(%run_scoped3A : memref<!tpu.dma_semaphore, #tpu.memory_space<semaphore_mem>>)
          %dma_wait3A_218 = arith.constant 0 : i32
          %dma_wait3A_219 = tpu.memref_slice %arg4[%multiple_of3A_213, %dma_wait3A_218] : memref<2656x128xi32, #tpu.memory_space<hbm>> -> memref<8x128xi32, #tpu.memory_space<hbm>>
          %dma_wait3A_220 = arith.constant 0 : i32
          %dma_wait3A_221 = tpu.memref_slice %arg4[%multiple_of3A_213, %dma_wait3A_220] : memref<2656x128xi32, #tpu.memory_space<hbm>> -> memref<8x128xi32, #tpu.memory_space<hbm>>
          tpu.wait_dma2 semaphore(%run_scoped3A : memref<!tpu.dma_semaphore, #tpu.memory_space<semaphore_mem>>) src(%dma_wait3A_221 : memref<8x128xi32, #tpu.memory_space<hbm>>) dst(%arg8 : memref<8x128xi32, #tpu.memory_space<vmem>>)
          tpu.yield
        }) : () -> ()
      } else {
      }
      %jit3A_81 = arith.constant 8 : i32
      %eq3A_82 = arith.constant 0 : i32
      %eq3A_83 = arith.cmpi eq, %jit3A_81, %eq3A_82 : i32
      %jit3A_84 = arith.constant 1 : i32
      %select_n3A_85 = arith.select %eq3A_83, %jit3A_84, %jit3A_81 : i32
      %rem3A_86 = arith.remsi %add3A_54, %select_n3A_85 : i32
      %ne3A_87 = arith.constant 0 : i32
      %ne3A_88 = arith.cmpi ne, %rem3A_86, %ne3A_87 : i32
      %lt3A_89 = arith.constant 0 : i32
      %lt3A_90 = arith.cmpi slt, %rem3A_86, %lt3A_89 : i32
      %lt3A_91 = arith.constant 0 : i32
      %lt3A_92 = arith.cmpi slt, %select_n3A_85, %lt3A_91 : i32
      %ne3A_93 = arith.xori %lt3A_90, %lt3A_92 : i1
      %and3A_94 = arith.andi %ne3A_93, %ne3A_88 : i1
      %add3A_95 = arith.addi %rem3A_86, %select_n3A_85 : i32
      %select_n3A_96 = arith.select %and3A_94, %add3A_95, %rem3A_86 : i32
      %dma_start3A_97 = arith.constant 0 : i32
      %dma_start3A_98 = tpu.memref_slice %arg8[%select_n3A_96, %dma_start3A_97] : memref<8x128xi32, #tpu.memory_space<vmem>> -> memref<1x128xi32, #tpu.memory_space<vmem>>
      %dma_start3A_99 = tpu.memref_squeeze %dma_start3A_98 : memref<1x128xi32, #tpu.memory_space<vmem>> -> memref<128xi32, #tpu.memory_space<vmem>>
      %dma_start3A_100 = arith.constant 0 : i32
      %dma_start3A_101 = arith.constant 0 : i32
      %dma_start3A_102 = tpu.memref_slice %arg11[%dma_start3A_100, %dma_start3A_101] : memref<10000x128xf32, #tpu.memory_space<vmem_shared>> -> memref<10000x128xf32, #tpu.memory_space<vmem_shared>>
      tpu.enqueue_indirect_dma source(%arg9 : memref<128x128xf32, #tpu.memory_space<vmem>>) target(%dma_start3A_102 : memref<10000x128xf32, #tpu.memory_space<vmem_shared>>) offsets(%dma_start3A_99 : memref<128xi32, #tpu.memory_space<vmem>>) semaphore(%arg14 : memref<!tpu.dma_semaphore, #tpu.memory_space<semaphore_mem>>) {add = true}
      %jit3A_103 = arith.constant 8 : i32
      %eq3A_104 = arith.constant 0 : i32
      %eq3A_105 = arith.cmpi eq, %jit3A_103, %eq3A_104 : i32
      %jit3A_106 = arith.constant 1 : i32
      %select_n3A_107 = arith.select %eq3A_105, %jit3A_106, %jit3A_103 : i32
      %rem3A_108 = arith.remsi %add3A_54, %select_n3A_107 : i32
      %ne3A_109 = arith.constant 0 : i32
      %ne3A_110 = arith.cmpi ne, %rem3A_108, %ne3A_109 : i32
      %lt3A_111 = arith.constant 0 : i32
      %lt3A_112 = arith.cmpi slt, %rem3A_108, %lt3A_111 : i32
      %lt3A_113 = arith.constant 0 : i32
      %lt3A_114 = arith.cmpi slt, %select_n3A_107, %lt3A_113 : i32
      %ne3A_115 = arith.xori %lt3A_112, %lt3A_114 : i1
      %and3A_116 = arith.andi %ne3A_115, %ne3A_110 : i1
      %add3A_117 = arith.addi %rem3A_108, %select_n3A_107 : i32
      %select_n3A_118 = arith.select %and3A_116, %add3A_117, %rem3A_108 : i32
      %dma_wait3A_119 = arith.constant 0 : i32
      %dma_wait3A_120 = tpu.memref_slice %arg8[%select_n3A_118, %dma_wait3A_119] : memref<8x128xi32, #tpu.memory_space<vmem>> -> memref<1x128xi32, #tpu.memory_space<vmem>>
      %dma_wait3A_121 = tpu.memref_squeeze %dma_wait3A_120 : memref<1x128xi32, #tpu.memory_space<vmem>> -> memref<128xi32, #tpu.memory_space<vmem>>
      %dma_wait3A_122 = arith.constant 0 : i32
      %dma_wait3A_123 = arith.constant 0 : i32
      %dma_wait3A_124 = tpu.memref_slice %arg11[%dma_wait3A_122, %dma_wait3A_123] : memref<10000x128xf32, #tpu.memory_space<vmem_shared>> -> memref<10000x128xf32, #tpu.memory_space<vmem_shared>>
      tpu.wait_indirect_dma semaphore(%arg14 : memref<!tpu.dma_semaphore, #tpu.memory_space<semaphore_mem>>) src(%arg9 : memref<128x128xf32, #tpu.memory_space<vmem>>) dst(%dma_wait3A_124 : memref<10000x128xf32, #tpu.memory_space<vmem_shared>>)
      %add3A_125 = arith.constant 2 : i32
      %add3A_126 = arith.addi %add3A_54, %add3A_125 : i32
      %lt3A_127 = arith.cmpi slt, %add3A_126, %select_n3A : i32
      %convert_element_type3A_128 = arith.extui %lt3A_127 : i1 to i32
      %cond3A_129 = arith.constant 0 : i32
      %cond3A_130 = arith.cmpi ne, %convert_element_type3A_128, %cond3A_129 : i32
      scf.if %cond3A_130 {
        %add3A_212 = arith.constant 2 : i32
        %add3A_213 = arith.addi %add3A_54, %add3A_212 : i32
        %mul3A_214 = arith.constant 128 : i32
        %mul3A_215 = arith.muli %add3A_213, %mul3A_214 : i32
        %dma_start3A_216 = tpu.memref_slice %arg7[%mul3A_215] : memref<16384xi32, #tpu.memory_space<vmem>> -> memref<128xi32, #tpu.memory_space<vmem>>
        %dma_start3A_217 = arith.constant 0 : i32
        %dma_start3A_218 = arith.constant 0 : i32
        %dma_start3A_219 = tpu.memref_slice %arg2[%dma_start3A_217, %dma_start3A_218] : memref<10008x128xf32, #tpu.memory_space<hbm>> -> memref<10008x128xf32, #tpu.memory_space<hbm>>
        tpu.enqueue_indirect_dma source(%dma_start3A_219 : memref<10008x128xf32, #tpu.memory_space<hbm>>) target(%arg9 : memref<128x128xf32, #tpu.memory_space<vmem>>) offsets(%dma_start3A_216 : memref<128xi32, #tpu.memory_space<vmem>>) semaphore(%arg12 : memref<!tpu.dma_semaphore, #tpu.memory_space<semaphore_mem>>)
      } else {
      }
      %mul3A_131 = arith.constant 2 : i32
      %mul3A_132 = arith.muli %while3A_50, %mul3A_131 : i32
      %add3A_133 = arith.constant 1 : i32
      %add3A_134 = arith.addi %mul3A_132, %add3A_133 : i32
      %mul3A_135 = arith.constant 128 : i32
      %mul3A_136 = arith.muli %add3A_134, %mul3A_135 : i32
      %dma_wait3A_137 = tpu.memref_slice %arg7[%mul3A_136] : memref<16384xi32, #tpu.memory_space<vmem>> -> memref<128xi32, #tpu.memory_space<vmem>>
      %dma_wait3A_138 = arith.constant 0 : i32
      %dma_wait3A_139 = arith.constant 0 : i32
      %dma_wait3A_140 = tpu.memref_slice %arg2[%dma_wait3A_138, %dma_wait3A_139] : memref<10008x128xf32, #tpu.memory_space<hbm>> -> memref<10008x128xf32, #tpu.memory_space<hbm>>
      tpu.wait_indirect_dma semaphore(%arg13 : memref<!tpu.dma_semaphore, #tpu.memory_space<semaphore_mem>>) src(%dma_wait3A_140 : memref<10008x128xf32, #tpu.memory_space<hbm>>) dst(%arg10 : memref<128x128xf32, #tpu.memory_space<vmem>>)
      %jit3A_141 = arith.constant 8 : i32
      %eq3A_142 = arith.constant 0 : i32
      %eq3A_143 = arith.cmpi eq, %jit3A_141, %eq3A_142 : i32
      %jit3A_144 = arith.constant 1 : i32
      %select_n3A_145 = arith.select %eq3A_143, %jit3A_144, %jit3A_141 : i32
      %rem3A_146 = arith.remsi %add3A_134, %select_n3A_145 : i32
      %ne3A_147 = arith.constant 0 : i32
      %ne3A_148 = arith.cmpi ne, %rem3A_146, %ne3A_147 : i32
      %lt3A_149 = arith.constant 0 : i32
      %lt3A_150 = arith.cmpi slt, %rem3A_146, %lt3A_149 : i32
      %lt3A_151 = arith.constant 0 : i32
      %lt3A_152 = arith.cmpi slt, %select_n3A_145, %lt3A_151 : i32
      %ne3A_153 = arith.xori %lt3A_150, %lt3A_152 : i1
      %and3A_154 = arith.andi %ne3A_153, %ne3A_148 : i1
      %add3A_155 = arith.addi %rem3A_146, %select_n3A_145 : i32
      %select_n3A_156 = arith.select %and3A_154, %add3A_155, %rem3A_146 : i32
      %eq3A_157 = arith.constant 0 : i32
      %eq3A_158 = arith.cmpi eq, %select_n3A_156, %eq3A_157 : i32
      %convert_element_type3A_159 = arith.extui %eq3A_158 : i1 to i32
      %cond3A_160 = arith.constant 0 : i32
      %cond3A_161 = arith.cmpi ne, %convert_element_type3A_159, %cond3A_160 : i32
      scf.if %cond3A_161 {
        %add3A_212 = arith.addi %multiple_of3A, %add3A_134 : i32
        %multiple_of3A_213 = tpu.assume_multiple %add3A_212, 8 : i32
        "tpu.region"() ({
          %run_scoped3A = tpu.sem_alloc : memref<!tpu.dma_semaphore, #tpu.memory_space<semaphore_mem>>
          %dma_start3A_214 = arith.constant 0 : i32
          %dma_start3A_215 = tpu.memref_slice %arg4[%multiple_of3A_213, %dma_start3A_214] : memref<2656x128xi32, #tpu.memory_space<hbm>> -> memref<8x128xi32, #tpu.memory_space<hbm>>
          %dma_start3A_216 = arith.constant 0 : i32
          %dma_start3A_217 = tpu.memref_slice %arg4[%multiple_of3A_213, %dma_start3A_216] : memref<2656x128xi32, #tpu.memory_space<hbm>> -> memref<8x128xi32, #tpu.memory_space<hbm>>
          tpu.enqueue_dma source(%dma_start3A_217 : memref<8x128xi32, #tpu.memory_space<hbm>>) target(%arg8 : memref<8x128xi32, #tpu.memory_space<vmem>>) target_semaphore(%run_scoped3A : memref<!tpu.dma_semaphore, #tpu.memory_space<semaphore_mem>>)
          %dma_wait3A_218 = arith.constant 0 : i32
          %dma_wait3A_219 = tpu.memref_slice %arg4[%multiple_of3A_213, %dma_wait3A_218] : memref<2656x128xi32, #tpu.memory_space<hbm>> -> memref<8x128xi32, #tpu.memory_space<hbm>>
          %dma_wait3A_220 = arith.constant 0 : i32
          %dma_wait3A_221 = tpu.memref_slice %arg4[%multiple_of3A_213, %dma_wait3A_220] : memref<2656x128xi32, #tpu.memory_space<hbm>> -> memref<8x128xi32, #tpu.memory_space<hbm>>
          tpu.wait_dma2 semaphore(%run_scoped3A : memref<!tpu.dma_semaphore, #tpu.memory_space<semaphore_mem>>) src(%dma_wait3A_221 : memref<8x128xi32, #tpu.memory_space<hbm>>) dst(%arg8 : memref<8x128xi32, #tpu.memory_space<vmem>>)
          tpu.yield
        }) : () -> ()
      } else {
      }
      %jit3A_162 = arith.constant 8 : i32
      %eq3A_163 = arith.constant 0 : i32
      %eq3A_164 = arith.cmpi eq, %jit3A_162, %eq3A_163 : i32
      %jit3A_165 = arith.constant 1 : i32
      %select_n3A_166 = arith.select %eq3A_164, %jit3A_165, %jit3A_162 : i32
      %rem3A_167 = arith.remsi %add3A_134, %select_n3A_166 : i32
      %ne3A_168 = arith.constant 0 : i32
      %ne3A_169 = arith.cmpi ne, %rem3A_167, %ne3A_168 : i32
      %lt3A_170 = arith.constant 0 : i32
      %lt3A_171 = arith.cmpi slt, %rem3A_167, %lt3A_170 : i32
      %lt3A_172 = arith.constant 0 : i32
      %lt3A_173 = arith.cmpi slt, %select_n3A_166, %lt3A_172 : i32
      %ne3A_174 = arith.xori %lt3A_171, %lt3A_173 : i1
      %and3A_175 = arith.andi %ne3A_174, %ne3A_169 : i1
      %add3A_176 = arith.addi %rem3A_167, %select_n3A_166 : i32
      %select_n3A_177 = arith.select %and3A_175, %add3A_176, %rem3A_167 : i32
      %dma_start3A_178 = arith.constant 0 : i32
      %dma_start3A_179 = tpu.memref_slice %arg8[%select_n3A_177, %dma_start3A_178] : memref<8x128xi32, #tpu.memory_space<vmem>> -> memref<1x128xi32, #tpu.memory_space<vmem>>
      %dma_start3A_180 = tpu.memref_squeeze %dma_start3A_179 : memref<1x128xi32, #tpu.memory_space<vmem>> -> memref<128xi32, #tpu.memory_space<vmem>>
      %dma_start3A_181 = arith.constant 0 : i32
      %dma_start3A_182 = arith.constant 0 : i32
      %dma_start3A_183 = tpu.memref_slice %arg11[%dma_start3A_181, %dma_start3A_182] : memref<10000x128xf32, #tpu.memory_space<vmem_shared>> -> memref<10000x128xf32, #tpu.memory_space<vmem_shared>>
      tpu.enqueue_indirect_dma source(%arg10 : memref<128x128xf32, #tpu.memory_space<vmem>>) target(%dma_start3A_183 : memref<10000x128xf32, #tpu.memory_space<vmem_shared>>) offsets(%dma_start3A_180 : memref<128xi32, #tpu.memory_space<vmem>>) semaphore(%arg15 : memref<!tpu.dma_semaphore, #tpu.memory_space<semaphore_mem>>) {add = true}
      %jit3A_184 = arith.constant 8 : i32
      %eq3A_185 = arith.constant 0 : i32
      %eq3A_186 = arith.cmpi eq, %jit3A_184, %eq3A_185 : i32
      %jit3A_187 = arith.constant 1 : i32
      %select_n3A_188 = arith.select %eq3A_186, %jit3A_187, %jit3A_184 : i32
      %rem3A_189 = arith.remsi %add3A_134, %select_n3A_188 : i32
      %ne3A_190 = arith.constant 0 : i32
      %ne3A_191 = arith.cmpi ne, %rem3A_189, %ne3A_190 : i32
      %lt3A_192 = arith.constant 0 : i32
      %lt3A_193 = arith.cmpi slt, %rem3A_189, %lt3A_192 : i32
      %lt3A_194 = arith.constant 0 : i32
      %lt3A_195 = arith.cmpi slt, %select_n3A_188, %lt3A_194 : i32
      %ne3A_196 = arith.xori %lt3A_193, %lt3A_195 : i1
      %and3A_197 = arith.andi %ne3A_196, %ne3A_191 : i1
      %add3A_198 = arith.addi %rem3A_189, %select_n3A_188 : i32
      %select_n3A_199 = arith.select %and3A_197, %add3A_198, %rem3A_189 : i32
      %dma_wait3A_200 = arith.constant 0 : i32
      %dma_wait3A_201 = tpu.memref_slice %arg8[%select_n3A_199, %dma_wait3A_200] : memref<8x128xi32, #tpu.memory_space<vmem>> -> memref<1x128xi32, #tpu.memory_space<vmem>>
      %dma_wait3A_202 = tpu.memref_squeeze %dma_wait3A_201 : memref<1x128xi32, #tpu.memory_space<vmem>> -> memref<128xi32, #tpu.memory_space<vmem>>
      %dma_wait3A_203 = arith.constant 0 : i32
      %dma_wait3A_204 = arith.constant 0 : i32
      %dma_wait3A_205 = tpu.memref_slice %arg11[%dma_wait3A_203, %dma_wait3A_204] : memref<10000x128xf32, #tpu.memory_space<vmem_shared>> -> memref<10000x128xf32, #tpu.memory_space<vmem_shared>>
      tpu.wait_indirect_dma semaphore(%arg15 : memref<!tpu.dma_semaphore, #tpu.memory_space<semaphore_mem>>) src(%arg10 : memref<128x128xf32, #tpu.memory_space<vmem>>) dst(%dma_wait3A_205 : memref<10000x128xf32, #tpu.memory_space<vmem_shared>>)
      %add3A_206 = arith.constant 2 : i32
      %add3A_207 = arith.addi %add3A_134, %add3A_206 : i32
      %lt3A_208 = arith.cmpi slt, %add3A_207, %select_n3A : i32
      %convert_element_type3A_209 = arith.extui %lt3A_208 : i1 to i32
      %cond3A_210 = arith.constant 0 : i32
      %cond3A_211 = arith.cmpi ne, %convert_element_type3A_209, %cond3A_210 : i32
      scf.if %cond3A_211 {
        %add3A_212 = arith.constant 2 : i32
        %add3A_213 = arith.addi %add3A_134, %add3A_212 : i32
        %mul3A_214 = arith.constant 128 : i32
        %mul3A_215 = arith.muli %add3A_213, %mul3A_214 : i32
        %dma_start3A_216 = tpu.memref_slice %arg7[%mul3A_215] : memref<16384xi32, #tpu.memory_space<vmem>> -> memref<128xi32, #tpu.memory_space<vmem>>
        %dma_start3A_217 = arith.constant 0 : i32
        %dma_start3A_218 = arith.constant 0 : i32
        %dma_start3A_219 = tpu.memref_slice %arg2[%dma_start3A_217, %dma_start3A_218] : memref<10008x128xf32, #tpu.memory_space<hbm>> -> memref<10008x128xf32, #tpu.memory_space<hbm>>
        tpu.enqueue_indirect_dma source(%dma_start3A_219 : memref<10008x128xf32, #tpu.memory_space<hbm>>) target(%arg10 : memref<128x128xf32, #tpu.memory_space<vmem>>) offsets(%dma_start3A_216 : memref<128xi32, #tpu.memory_space<vmem>>) semaphore(%arg13 : memref<!tpu.dma_semaphore, #tpu.memory_space<semaphore_mem>>)
      } else {
      }
    }
    %barrier3A_44 = arith.constant 0 : index
    tpu.barrier barrier_id(%barrier3A_44)
    %lt3A_45 = arith.constant 10 : i32
    %lt3A_46 = arith.cmpi slt, %arg1, %lt3A_45 : i32
    %convert_element_type3A_47 = arith.extui %lt3A_46 : i1 to i32
    %cond3A_48 = arith.constant 0 : i32
    %cond3A_49 = arith.cmpi ne, %convert_element_type3A_47, %cond3A_48 : i32
    scf.if %cond3A_49 {
      %mul3A_50 = arith.constant 1000 : i32
      %mul3A_51 = arith.muli %arg1, %mul3A_50 : i32
      %mul3A_52 = arith.constant 10000 : i32
      %mul3A_53 = arith.muli %arg0, %mul3A_52 : i32
      %mul3A_54 = arith.constant 1000 : i32
      %mul3A_55 = arith.muli %arg1, %mul3A_54 : i32
      %add3A_56 = arith.addi %mul3A_53, %mul3A_55 : i32
      "tpu.region"() ({
        %run_scoped3A = tpu.sem_alloc : memref<!tpu.dma_semaphore, #tpu.memory_space<semaphore_mem>>
        %dma_start3A_57 = arith.constant 0 : i32
        %dma_start3A_58 = tpu.memref_slice %arg6[%add3A_56, %dma_start3A_57] : memref<20000x128xf32, #tpu.memory_space<hbm>> -> memref<1000x128xf32, #tpu.memory_space<hbm>>
        %dma_start3A_59 = arith.constant 0 : i32
        %dma_start3A_60 = tpu.memref_slice %arg11[%mul3A_51, %dma_start3A_59] : memref<10000x128xf32, #tpu.memory_space<vmem_shared>> -> memref<1000x128xf32, #tpu.memory_space<vmem_shared>>
        tpu.enqueue_dma source(%dma_start3A_60 : memref<1000x128xf32, #tpu.memory_space<vmem_shared>>) target(%dma_start3A_58 : memref<1000x128xf32, #tpu.memory_space<hbm>>) target_semaphore(%run_scoped3A : memref<!tpu.dma_semaphore, #tpu.memory_space<semaphore_mem>>)
        %dma_wait3A = arith.constant 0 : i32
        %dma_wait3A_61 = tpu.memref_slice %arg6[%add3A_56, %dma_wait3A] : memref<20000x128xf32, #tpu.memory_space<hbm>> -> memref<1000x128xf32, #tpu.memory_space<hbm>>
        %dma_wait3A_62 = arith.constant 0 : i32
        %dma_wait3A_63 = tpu.memref_slice %arg11[%mul3A_51, %dma_wait3A_62] : memref<10000x128xf32, #tpu.memory_space<vmem_shared>> -> memref<1000x128xf32, #tpu.memory_space<vmem_shared>>
        tpu.wait_dma2 semaphore(%run_scoped3A : memref<!tpu.dma_semaphore, #tpu.memory_space<semaphore_mem>>) src(%dma_wait3A_63 : memref<1000x128xf32, #tpu.memory_space<vmem_shared>>) dst(%dma_wait3A_61 : memref<1000x128xf32, #tpu.memory_space<hbm>>)
        tpu.yield
      }) : () -> ()
    } else {
    }
    return
  }
}

#map = affine_map<(d0, d1) -> (0, 0, 0, 0)>
#map1 = affine_map<(d0, d1) -> (0, 0)>
module attributes {stable_mosaic.version = 14 : i64} {
  func.func @body_deg(%arg0: i32, %arg1: i32, %arg2: memref<2x16x80x128xi32, #tpu.memory_space<hbm>>, %arg3: memref<1000x128xf32, #tpu.memory_space<hbm>>, %arg4: memref<128x128xf32, #tpu.memory_space<hbm>>, %arg5: memref<20000x128xf32, #tpu.memory_space<hbm>>, %arg6: memref<80x128xi32, #tpu.memory_space<vmem>>, %arg7: memref<128x128xf32, #tpu.memory_space<vmem>>, %arg8: memref<10008x128xf32, #tpu.memory_space<vmem_shared>>, %arg9: memref<!tpu.dma_semaphore, #tpu.memory_space<semaphore_mem>>) attributes {dimension_semantics = [#tpu.dimension_semantics<core_parallel>, #tpu.dimension_semantics<subcore_parallel>], iteration_bounds = array<i64: 2, 16>, scalar_prefetch = 0 : i64, scratch_operands = 4 : i64, tpu.core_type = #tpu.core_type<sc_vector_subcore>, window_params = [{transform_indices = #map}, {transform_indices = #map1}, {transform_indices = #map1}, {transform_indices = #map1}]} {
    %lt3A = arith.constant 10 : i32
    %lt3A_0 = arith.cmpi slt, %arg1, %lt3A : i32
    %convert_element_type3A = arith.extui %lt3A_0 : i1 to i32
    %cond3A = arith.constant 0 : i32
    %cond3A_1 = arith.cmpi ne, %convert_element_type3A, %cond3A : i32
    scf.if %cond3A_1 {
      %mul3A = arith.constant 1000 : i32
      %mul3A_23 = arith.muli %arg1, %mul3A : i32
      "tpu.region"() ({
        %run_scoped3A = tpu.sem_alloc : memref<!tpu.dma_semaphore, #tpu.memory_space<semaphore_mem>>
        %dma_start3A = arith.constant 0 : i32
        %dma_start3A_24 = tpu.memref_slice %arg8[%mul3A_23, %dma_start3A] : memref<10008x128xf32, #tpu.memory_space<vmem_shared>> -> memref<1000x128xf32, #tpu.memory_space<vmem_shared>>
        tpu.enqueue_dma source(%arg3 : memref<1000x128xf32, #tpu.memory_space<hbm>>) target(%dma_start3A_24 : memref<1000x128xf32, #tpu.memory_space<vmem_shared>>) target_semaphore(%run_scoped3A : memref<!tpu.dma_semaphore, #tpu.memory_space<semaphore_mem>>)
        %dma_wait3A = arith.constant 0 : i32
        %dma_wait3A_25 = tpu.memref_slice %arg8[%mul3A_23, %dma_wait3A] : memref<10008x128xf32, #tpu.memory_space<vmem_shared>> -> memref<1000x128xf32, #tpu.memory_space<vmem_shared>>
        tpu.wait_dma2 semaphore(%run_scoped3A : memref<!tpu.dma_semaphore, #tpu.memory_space<semaphore_mem>>) src(%arg3 : memref<1000x128xf32, #tpu.memory_space<hbm>>) dst(%dma_wait3A_25 : memref<1000x128xf32, #tpu.memory_space<vmem_shared>>)
        tpu.yield
      }) : () -> ()
    } else {
    }
    %eq3A = arith.constant 10 : i32
    %eq3A_2 = arith.cmpi eq, %arg1, %eq3A : i32
    %convert_element_type3A_3 = arith.extui %eq3A_2 : i1 to i32
    %cond3A_4 = arith.constant 0 : i32
    %cond3A_5 = arith.cmpi ne, %convert_element_type3A_3, %cond3A_4 : i32
    scf.if %cond3A_5 {
      "tpu.region"() ({
        %run_scoped3A = tpu.sem_alloc : memref<!tpu.dma_semaphore, #tpu.memory_space<semaphore_mem>>
        %dma_start3A = arith.constant 10000 : i32
        %dma_start3A_23 = arith.constant 0 : i32
        %dma_start3A_24 = tpu.memref_slice %arg8[%dma_start3A, %dma_start3A_23] : memref<10008x128xf32, #tpu.memory_space<vmem_shared>> -> memref<8x128xf32, #tpu.memory_space<vmem_shared>>
        %dma_start3A_25 = arith.constant 0 : i32
        %dma_start3A_26 = arith.constant 0 : i32
        %dma_start3A_27 = tpu.memref_slice %arg3[%dma_start3A_25, %dma_start3A_26] : memref<1000x128xf32, #tpu.memory_space<hbm>> -> memref<8x128xf32, #tpu.memory_space<hbm>>
        tpu.enqueue_dma source(%dma_start3A_27 : memref<8x128xf32, #tpu.memory_space<hbm>>) target(%dma_start3A_24 : memref<8x128xf32, #tpu.memory_space<vmem_shared>>) target_semaphore(%run_scoped3A : memref<!tpu.dma_semaphore, #tpu.memory_space<semaphore_mem>>)
        %dma_wait3A = arith.constant 10000 : i32
        %dma_wait3A_28 = arith.constant 0 : i32
        %dma_wait3A_29 = tpu.memref_slice %arg8[%dma_wait3A, %dma_wait3A_28] : memref<10008x128xf32, #tpu.memory_space<vmem_shared>> -> memref<8x128xf32, #tpu.memory_space<vmem_shared>>
        %dma_wait3A_30 = arith.constant 0 : i32
        %dma_wait3A_31 = arith.constant 0 : i32
        %dma_wait3A_32 = tpu.memref_slice %arg3[%dma_wait3A_30, %dma_wait3A_31] : memref<1000x128xf32, #tpu.memory_space<hbm>> -> memref<8x128xf32, #tpu.memory_space<hbm>>
        tpu.wait_dma2 semaphore(%run_scoped3A : memref<!tpu.dma_semaphore, #tpu.memory_space<semaphore_mem>>) src(%dma_wait3A_32 : memref<8x128xf32, #tpu.memory_space<hbm>>) dst(%dma_wait3A_29 : memref<8x128xf32, #tpu.memory_space<vmem_shared>>)
        tpu.yield
      }) : () -> ()
    } else {
    }
    %barrier3A = arith.constant 0 : index
    tpu.barrier barrier_id(%barrier3A)
    "tpu.region"() ({
      %run_scoped3A = tpu.sem_alloc : memref<!tpu.dma_semaphore, #tpu.memory_space<semaphore_mem>>
      %dma_start3A = arith.constant 0 : i32
      %dma_start3A_23 = arith.constant 0 : i32
      %dma_start3A_24 = tpu.memref_slice %arg2[%arg0, %arg1, %dma_start3A, %dma_start3A_23] : memref<2x16x80x128xi32, #tpu.memory_space<hbm>> -> memref<1x1x80x128xi32, #tpu.memory_space<hbm>>
      %dma_start3A_25 = tpu.memref_squeeze %dma_start3A_24 : memref<1x1x80x128xi32, #tpu.memory_space<hbm>> -> memref<80x128xi32, #tpu.memory_space<hbm>>
      %dma_start3A_26 = arith.constant 0 : i32
      %dma_start3A_27 = arith.constant 0 : i32
      %dma_start3A_28 = tpu.memref_slice %arg2[%arg0, %arg1, %dma_start3A_26, %dma_start3A_27] : memref<2x16x80x128xi32, #tpu.memory_space<hbm>> -> memref<1x1x80x128xi32, #tpu.memory_space<hbm>>
      %dma_start3A_29 = tpu.memref_squeeze %dma_start3A_28 : memref<1x1x80x128xi32, #tpu.memory_space<hbm>> -> memref<80x128xi32, #tpu.memory_space<hbm>>
      tpu.enqueue_dma source(%dma_start3A_29 : memref<80x128xi32, #tpu.memory_space<hbm>>) target(%arg6 : memref<80x128xi32, #tpu.memory_space<vmem>>) target_semaphore(%run_scoped3A : memref<!tpu.dma_semaphore, #tpu.memory_space<semaphore_mem>>)
      %dma_wait3A = arith.constant 0 : i32
      %dma_wait3A_30 = arith.constant 0 : i32
      %dma_wait3A_31 = tpu.memref_slice %arg2[%arg0, %arg1, %dma_wait3A, %dma_wait3A_30] : memref<2x16x80x128xi32, #tpu.memory_space<hbm>> -> memref<1x1x80x128xi32, #tpu.memory_space<hbm>>
      %dma_wait3A_32 = tpu.memref_squeeze %dma_wait3A_31 : memref<1x1x80x128xi32, #tpu.memory_space<hbm>> -> memref<80x128xi32, #tpu.memory_space<hbm>>
      %dma_wait3A_33 = arith.constant 0 : i32
      %dma_wait3A_34 = arith.constant 0 : i32
      %dma_wait3A_35 = tpu.memref_slice %arg2[%arg0, %arg1, %dma_wait3A_33, %dma_wait3A_34] : memref<2x16x80x128xi32, #tpu.memory_space<hbm>> -> memref<1x1x80x128xi32, #tpu.memory_space<hbm>>
      %dma_wait3A_36 = tpu.memref_squeeze %dma_wait3A_35 : memref<1x1x80x128xi32, #tpu.memory_space<hbm>> -> memref<80x128xi32, #tpu.memory_space<hbm>>
      tpu.wait_dma2 semaphore(%run_scoped3A : memref<!tpu.dma_semaphore, #tpu.memory_space<semaphore_mem>>) src(%dma_wait3A_36 : memref<80x128xi32, #tpu.memory_space<hbm>>) dst(%arg6 : memref<80x128xi32, #tpu.memory_space<vmem>>)
      tpu.yield
    }) : () -> ()
    "tpu.region"() ({
      %run_scoped3A = tpu.sem_alloc : memref<!tpu.dma_semaphore, #tpu.memory_space<semaphore_mem>>
      tpu.enqueue_dma source(%arg4 : memref<128x128xf32, #tpu.memory_space<hbm>>) target(%arg7 : memref<128x128xf32, #tpu.memory_space<vmem>>) target_semaphore(%run_scoped3A : memref<!tpu.dma_semaphore, #tpu.memory_space<semaphore_mem>>)
      tpu.wait_dma2 semaphore(%run_scoped3A : memref<!tpu.dma_semaphore, #tpu.memory_space<semaphore_mem>>) src(%arg4 : memref<128x128xf32, #tpu.memory_space<hbm>>) dst(%arg7 : memref<128x128xf32, #tpu.memory_space<vmem>>)
      tpu.yield
    }) : () -> ()
    %scan3A = arith.constant 0 : i32
    %scan3A_6 = arith.constant 0 : i32
    %scan3A_7 = arith.constant 80 : i32
    %scan3A_8 = arith.addi %scan3A_6, %scan3A_7 : i32
    %scan3A_9 = arith.constant 1 : i32
    scf.for %scan3A_23 = %scan3A_6 to %scan3A_8 step %scan3A_9  : i32 {
      %dma_start3A = arith.constant 0 : i32
      %dma_start3A_24 = tpu.memref_slice %arg6[%scan3A_23, %dma_start3A] : memref<80x128xi32, #tpu.memory_space<vmem>> -> memref<1x128xi32, #tpu.memory_space<vmem>>
      %dma_start3A_25 = tpu.memref_squeeze %dma_start3A_24 : memref<1x128xi32, #tpu.memory_space<vmem>> -> memref<128xi32, #tpu.memory_space<vmem>>
      %dma_start3A_26 = arith.constant 0 : i32
      %dma_start3A_27 = arith.constant 0 : i32
      %dma_start3A_28 = tpu.memref_slice %arg8[%dma_start3A_26, %dma_start3A_27] : memref<10008x128xf32, #tpu.memory_space<vmem_shared>> -> memref<10008x128xf32, #tpu.memory_space<vmem_shared>>
      tpu.enqueue_indirect_dma source(%arg7 : memref<128x128xf32, #tpu.memory_space<vmem>>) target(%dma_start3A_28 : memref<10008x128xf32, #tpu.memory_space<vmem_shared>>) offsets(%dma_start3A_25 : memref<128xi32, #tpu.memory_space<vmem>>) semaphore(%arg9 : memref<!tpu.dma_semaphore, #tpu.memory_space<semaphore_mem>>) {add = true}
    }
    %scan3A_10 = arith.constant 80 : i32
    %scan3A_11 = arith.constant 0 : i32
    %scan3A_12 = arith.constant 0 : i32
    %scan3A_13 = arith.constant 80 : i32
    %scan3A_14 = arith.addi %scan3A_12, %scan3A_13 : i32
    %scan3A_15 = arith.constant 1 : i32
    scf.for %scan3A_23 = %scan3A_12 to %scan3A_14 step %scan3A_15  : i32 {
      %dma_wait3A = arith.constant 0 : i32
      %dma_wait3A_24 = tpu.memref_slice %arg6[%scan3A_23, %dma_wait3A] : memref<80x128xi32, #tpu.memory_space<vmem>> -> memref<1x128xi32, #tpu.memory_space<vmem>>
      %dma_wait3A_25 = tpu.memref_squeeze %dma_wait3A_24 : memref<1x128xi32, #tpu.memory_space<vmem>> -> memref<128xi32, #tpu.memory_space<vmem>>
      %dma_wait3A_26 = arith.constant 0 : i32
      %dma_wait3A_27 = arith.constant 0 : i32
      %dma_wait3A_28 = tpu.memref_slice %arg8[%dma_wait3A_26, %dma_wait3A_27] : memref<10008x128xf32, #tpu.memory_space<vmem_shared>> -> memref<10008x128xf32, #tpu.memory_space<vmem_shared>>
      tpu.wait_indirect_dma semaphore(%arg9 : memref<!tpu.dma_semaphore, #tpu.memory_space<semaphore_mem>>) src(%arg7 : memref<128x128xf32, #tpu.memory_space<vmem>>) dst(%dma_wait3A_28 : memref<10008x128xf32, #tpu.memory_space<vmem_shared>>)
    }
    %scan3A_16 = arith.constant 80 : i32
    %barrier3A_17 = arith.constant 0 : index
    tpu.barrier barrier_id(%barrier3A_17)
    %lt3A_18 = arith.constant 10 : i32
    %lt3A_19 = arith.cmpi slt, %arg1, %lt3A_18 : i32
    %convert_element_type3A_20 = arith.extui %lt3A_19 : i1 to i32
    %cond3A_21 = arith.constant 0 : i32
    %cond3A_22 = arith.cmpi ne, %convert_element_type3A_20, %cond3A_21 : i32
    scf.if %cond3A_22 {
      %mul3A = arith.constant 1000 : i32
      %mul3A_23 = arith.muli %arg1, %mul3A : i32
      %mul3A_24 = arith.constant 10000 : i32
      %mul3A_25 = arith.muli %arg0, %mul3A_24 : i32
      %mul3A_26 = arith.constant 1000 : i32
      %mul3A_27 = arith.muli %arg1, %mul3A_26 : i32
      %add3A = arith.addi %mul3A_25, %mul3A_27 : i32
      "tpu.region"() ({
        %run_scoped3A = tpu.sem_alloc : memref<!tpu.dma_semaphore, #tpu.memory_space<semaphore_mem>>
        %dma_start3A = arith.constant 0 : i32
        %dma_start3A_28 = tpu.memref_slice %arg5[%add3A, %dma_start3A] : memref<20000x128xf32, #tpu.memory_space<hbm>> -> memref<1000x128xf32, #tpu.memory_space<hbm>>
        %dma_start3A_29 = arith.constant 0 : i32
        %dma_start3A_30 = tpu.memref_slice %arg8[%mul3A_23, %dma_start3A_29] : memref<10008x128xf32, #tpu.memory_space<vmem_shared>> -> memref<1000x128xf32, #tpu.memory_space<vmem_shared>>
        tpu.enqueue_dma source(%dma_start3A_30 : memref<1000x128xf32, #tpu.memory_space<vmem_shared>>) target(%dma_start3A_28 : memref<1000x128xf32, #tpu.memory_space<hbm>>) target_semaphore(%run_scoped3A : memref<!tpu.dma_semaphore, #tpu.memory_space<semaphore_mem>>)
        %dma_wait3A = arith.constant 0 : i32
        %dma_wait3A_31 = tpu.memref_slice %arg5[%add3A, %dma_wait3A] : memref<20000x128xf32, #tpu.memory_space<hbm>> -> memref<1000x128xf32, #tpu.memory_space<hbm>>
        %dma_wait3A_32 = arith.constant 0 : i32
        %dma_wait3A_33 = tpu.memref_slice %arg8[%mul3A_23, %dma_wait3A_32] : memref<10008x128xf32, #tpu.memory_space<vmem_shared>> -> memref<1000x128xf32, #tpu.memory_space<vmem_shared>>
        tpu.wait_dma2 semaphore(%run_scoped3A : memref<!tpu.dma_semaphore, #tpu.memory_space<semaphore_mem>>) src(%dma_wait3A_33 : memref<1000x128xf32, #tpu.memory_space<vmem_shared>>) dst(%dma_wait3A_31 : memref<1000x128xf32, #tpu.memory_space<hbm>>)
        tpu.yield
      }) : () -> ()
    } else {
    }
    return
  }
}

#map = affine_map<(d0, d1) -> (0, 0)>
#map1 = affine_map<(d0, d1) -> (0)>
module attributes {stable_mosaic.version = 14 : i64} {
  func.func @body(%arg0: i32, %arg1: i32, %arg2: memref<10008x128xf32, #tpu.memory_space<hbm>>, %arg3: memref<339968xi32, #tpu.memory_space<hbm>>, %arg4: memref<2656x128xi32, #tpu.memory_space<hbm>>, %arg5: memref<1000x128xf32, #tpu.memory_space<hbm>>, %arg6: memref<20000x128xf32, #tpu.memory_space<hbm>>, %arg7: memref<16384xi32, #tpu.memory_space<vmem>>, %arg8: memref<8x128xi32, #tpu.memory_space<vmem>>, %arg9: memref<128x128xf32, #tpu.memory_space<vmem>>, %arg10: memref<128x128xf32, #tpu.memory_space<vmem>>, %arg11: memref<10000x128xf32, #tpu.memory_space<vmem_shared>>, %arg12: memref<!tpu.dma_semaphore, #tpu.memory_space<semaphore_mem>>, %arg13: memref<!tpu.dma_semaphore, #tpu.memory_space<semaphore_mem>>, %arg14: memref<!tpu.dma_semaphore, #tpu.memory_space<semaphore_mem>>, %arg15: memref<!tpu.dma_semaphore, #tpu.memory_space<semaphore_mem>>) attributes {dimension_semantics = [#tpu.dimension_semantics<core_parallel>, #tpu.dimension_semantics<subcore_parallel>], iteration_bounds = array<i64: 2, 16>, scalar_prefetch = 0 : i64, scratch_operands = 9 : i64, tpu.core_type = #tpu.core_type<sc_vector_subcore>, window_params = [{transform_indices = #map}, {transform_indices = #map1}, {transform_indices = #map}, {transform_indices = #map}, {transform_indices = #map}]} {
    %eq3A = arith.constant 0 : i32
    %eq3A_0 = arith.cmpi eq, %arg0, %eq3A : i32
    %jit3A = arith.constant 128 : i32
    %jit3A_1 = arith.constant 32 : i32
    %select_n3A = arith.select %eq3A_0, %jit3A, %jit3A_1 : i32
    %mul3A = arith.constant 2048 : i32
    %mul3A_2 = arith.muli %arg0, %mul3A : i32
    %mul3A_3 = arith.muli %arg1, %select_n3A : i32
    %add3A = arith.addi %mul3A_2, %mul3A_3 : i32
    %multiple_of3A = tpu.assume_multiple %add3A, 8 : i32
    %lt3A = arith.constant 10 : i32
    %lt3A_4 = arith.cmpi slt, %arg1, %lt3A : i32
    %convert_element_type3A = arith.extui %lt3A_4 : i1 to i32
    %cond3A = arith.constant 0 : i32
    %cond3A_5 = arith.cmpi ne, %convert_element_type3A, %cond3A : i32
    scf.if %cond3A_5 {
      %mul3A_50 = arith.constant 1000 : i32
      %mul3A_51 = arith.muli %arg1, %mul3A_50 : i32
      "tpu.region"() ({
        %run_scoped3A = tpu.sem_alloc : memref<!tpu.dma_semaphore, #tpu.memory_space<semaphore_mem>>
        %dma_start3A_52 = arith.constant 0 : i32
        %dma_start3A_53 = tpu.memref_slice %arg11[%mul3A_51, %dma_start3A_52] : memref<10000x128xf32, #tpu.memory_space<vmem_shared>> -> memref<1000x128xf32, #tpu.memory_space<vmem_shared>>
        tpu.enqueue_dma source(%arg5 : memref<1000x128xf32, #tpu.memory_space<hbm>>) target(%dma_start3A_53 : memref<1000x128xf32, #tpu.memory_space<vmem_shared>>) target_semaphore(%run_scoped3A : memref<!tpu.dma_semaphore, #tpu.memory_space<semaphore_mem>>)
        %dma_wait3A = arith.constant 0 : i32
        %dma_wait3A_54 = tpu.memref_slice %arg11[%mul3A_51, %dma_wait3A] : memref<10000x128xf32, #tpu.memory_space<vmem_shared>> -> memref<1000x128xf32, #tpu.memory_space<vmem_shared>>
        tpu.wait_dma2 semaphore(%run_scoped3A : memref<!tpu.dma_semaphore, #tpu.memory_space<semaphore_mem>>) src(%arg5 : memref<1000x128xf32, #tpu.memory_space<hbm>>) dst(%dma_wait3A_54 : memref<1000x128xf32, #tpu.memory_space<vmem_shared>>)
        tpu.yield
      }) : () -> ()
    } else {
    }
    %barrier3A = arith.constant 0 : index
    tpu.barrier barrier_id(%barrier3A)
    %mul3A_6 = arith.constant 128 : i32
    %mul3A_7 = arith.muli %multiple_of3A, %mul3A_6 : i32
    "tpu.region"() ({
      %run_scoped3A = tpu.sem_alloc : memref<!tpu.dma_semaphore, #tpu.memory_space<semaphore_mem>>
      %dma_start3A_50 = tpu.memref_slice %arg3[%mul3A_7] : memref<339968xi32, #tpu.memory_space<hbm>> -> memref<16384xi32, #tpu.memory_space<hbm>>
      %dma_start3A_51 = tpu.memref_slice %arg3[%mul3A_7] : memref<339968xi32, #tpu.memory_space<hbm>> -> memref<16384xi32, #tpu.memory_space<hbm>>
      tpu.enqueue_dma source(%dma_start3A_51 : memref<16384xi32, #tpu.memory_space<hbm>>) target(%arg7 : memref<16384xi32, #tpu.memory_space<vmem>>) target_semaphore(%run_scoped3A : memref<!tpu.dma_semaphore, #tpu.memory_space<semaphore_mem>>)
      %dma_wait3A = tpu.memref_slice %arg3[%mul3A_7] : memref<339968xi32, #tpu.memory_space<hbm>> -> memref<16384xi32, #tpu.memory_space<hbm>>
      %dma_wait3A_52 = tpu.memref_slice %arg3[%mul3A_7] : memref<339968xi32, #tpu.memory_space<hbm>> -> memref<16384xi32, #tpu.memory_space<hbm>>
      tpu.wait_dma2 semaphore(%run_scoped3A : memref<!tpu.dma_semaphore, #tpu.memory_space<semaphore_mem>>) src(%dma_wait3A_52 : memref<16384xi32, #tpu.memory_space<hbm>>) dst(%arg7 : memref<16384xi32, #tpu.memory_space<vmem>>)
      tpu.yield
    }) : () -> ()
    %dma_start3A = arith.constant 0 : i32
    %dma_start3A_8 = tpu.memref_slice %arg7[%dma_start3A] : memref<16384xi32, #tpu.memory_space<vmem>> -> memref<128xi32, #tpu.memory_space<vmem>>
    %dma_start3A_9 = arith.constant 0 : i32
    %dma_start3A_10 = arith.constant 0 : i32
    %dma_start3A_11 = tpu.memref_slice %arg2[%dma_start3A_9, %dma_start3A_10] : memref<10008x128xf32, #tpu.memory_space<hbm>> -> memref<10008x128xf32, #tpu.memory_space<hbm>>
    tpu.enqueue_indirect_dma source(%dma_start3A_11 : memref<10008x128xf32, #tpu.memory_space<hbm>>) target(%arg9 : memref<128x128xf32, #tpu.memory_space<vmem>>) offsets(%dma_start3A_8 : memref<128xi32, #tpu.memory_space<vmem>>) semaphore(%arg12 : memref<!tpu.dma_semaphore, #tpu.memory_space<semaphore_mem>>)
    %dma_start3A_12 = arith.constant 128 : i32
    %dma_start3A_13 = tpu.memref_slice %arg7[%dma_start3A_12] : memref<16384xi32, #tpu.memory_space<vmem>> -> memref<128xi32, #tpu.memory_space<vmem>>
    %dma_start3A_14 = arith.constant 0 : i32
    %dma_start3A_15 = arith.constant 0 : i32
    %dma_start3A_16 = tpu.memref_slice %arg2[%dma_start3A_14, %dma_start3A_15] : memref<10008x128xf32, #tpu.memory_space<hbm>> -> memref<10008x128xf32, #tpu.memory_space<hbm>>
    tpu.enqueue_indirect_dma source(%dma_start3A_16 : memref<10008x128xf32, #tpu.memory_space<hbm>>) target(%arg10 : memref<128x128xf32, #tpu.memory_space<vmem>>) offsets(%dma_start3A_13 : memref<128xi32, #tpu.memory_space<vmem>>) semaphore(%arg13 : memref<!tpu.dma_semaphore, #tpu.memory_space<semaphore_mem>>)
    %jit3A_17 = arith.constant 2 : i32
    %div3A = arith.divsi %select_n3A, %jit3A_17 : i32
    %sign3A = arith.constant 0 : i32
    %sign3A_18 = arith.cmpi sgt, %select_n3A, %sign3A : i32
    %sign3A_19 = arith.extui %sign3A_18 : i1 to i32
    %sign3A_20 = arith.constant 0 : i32
    %sign3A_21 = arith.cmpi slt, %select_n3A, %sign3A_20 : i32
    %sign3A_22 = arith.extui %sign3A_21 : i1 to i32
    %sign3A_23 = arith.subi %sign3A_19, %sign3A_22 : i32
    %sign3A_24 = arith.constant 0 : i32
    %sign3A_25 = arith.cmpi sgt, %jit3A_17, %sign3A_24 : i32
    %sign3A_26 = arith.extui %sign3A_25 : i1 to i32
    %sign3A_27 = arith.constant 0 : i32
    %sign3A_28 = arith.cmpi slt, %jit3A_17, %sign3A_27 : i32
    %sign3A_29 = arith.extui %sign3A_28 : i1 to i32
    %sign3A_30 = arith.subi %sign3A_26, %sign3A_29 : i32
    %ne3A = arith.cmpi ne, %sign3A_23, %sign3A_30 : i32
    %rem3A = arith.remsi %select_n3A, %jit3A_17 : i32
    %ne3A_31 = arith.constant 0 : i32
    %ne3A_32 = arith.cmpi ne, %rem3A, %ne3A_31 : i32
    %and3A = arith.andi %ne3A, %ne3A_32 : i1
    %sub3A = arith.constant 1 : i32
    %sub3A_33 = arith.subi %div3A, %sub3A : i32
    %select_n3A_34 = arith.select %and3A, %sub3A_33, %div3A : i32
    %while3A = arith.constant 0 : i32
    %while3A_35 = arith.constant 0 : i32
    %while3A_36 = arith.subi %select_n3A_34, %while3A_35 : i32
    %while3A_37 = arith.addi %while3A_35, %while3A_36 : i32
    %while3A_38 = arith.constant 1 : i32
    %while3A_39 = arith.divsi %while3A_36, %while3A_38 : i32
    %while3A_40 = arith.muli %while3A_39, %while3A_38 : i32
    %while3A_41 = arith.addi %while3A_35, %while3A_40 : i32
    %while3A_42 = arith.constant 1 : i32
    scf.for %while3A_50 = %while3A_35 to %while3A_41 step %while3A_42  : i32 {
      %mul3A_51 = arith.constant 2 : i32
      %mul3A_52 = arith.muli %while3A_50, %mul3A_51 : i32
      %add3A_53 = arith.constant 0 : i32
      %add3A_54 = arith.addi %mul3A_52, %add3A_53 : i32
      %mul3A_55 = arith.constant 128 : i32
      %mul3A_56 = arith.muli %add3A_54, %mul3A_55 : i32
      %dma_wait3A = tpu.memref_slice %arg7[%mul3A_56] : memref<16384xi32, #tpu.memory_space<vmem>> -> memref<128xi32, #tpu.memory_space<vmem>>
      %dma_wait3A_57 = arith.constant 0 : i32
      %dma_wait3A_58 = arith.constant 0 : i32
      %dma_wait3A_59 = tpu.memref_slice %arg2[%dma_wait3A_57, %dma_wait3A_58] : memref<10008x128xf32, #tpu.memory_space<hbm>> -> memref<10008x128xf32, #tpu.memory_space<hbm>>
      tpu.wait_indirect_dma semaphore(%arg12 : memref<!tpu.dma_semaphore, #tpu.memory_space<semaphore_mem>>) src(%dma_wait3A_59 : memref<10008x128xf32, #tpu.memory_space<hbm>>) dst(%arg9 : memref<128x128xf32, #tpu.memory_space<vmem>>)
      %jit3A_60 = arith.constant 8 : i32
      %eq3A_61 = arith.constant 0 : i32
      %eq3A_62 = arith.cmpi eq, %jit3A_60, %eq3A_61 : i32
      %jit3A_63 = arith.constant 1 : i32
      %select_n3A_64 = arith.select %eq3A_62, %jit3A_63, %jit3A_60 : i32
      %rem3A_65 = arith.remsi %add3A_54, %select_n3A_64 : i32
      %ne3A_66 = arith.constant 0 : i32
      %ne3A_67 = arith.cmpi ne, %rem3A_65, %ne3A_66 : i32
      %lt3A_68 = arith.constant 0 : i32
      %lt3A_69 = arith.cmpi slt, %rem3A_65, %lt3A_68 : i32
      %lt3A_70 = arith.constant 0 : i32
      %lt3A_71 = arith.cmpi slt, %select_n3A_64, %lt3A_70 : i32
      %ne3A_72 = arith.xori %lt3A_69, %lt3A_71 : i1
      %and3A_73 = arith.andi %ne3A_72, %ne3A_67 : i1
      %add3A_74 = arith.addi %rem3A_65, %select_n3A_64 : i32
      %select_n3A_75 = arith.select %and3A_73, %add3A_74, %rem3A_65 : i32
      %eq3A_76 = arith.constant 0 : i32
      %eq3A_77 = arith.cmpi eq, %select_n3A_75, %eq3A_76 : i32
      %convert_element_type3A_78 = arith.extui %eq3A_77 : i1 to i32
      %cond3A_79 = arith.constant 0 : i32
      %cond3A_80 = arith.cmpi ne, %convert_element_type3A_78, %cond3A_79 : i32
      scf.if %cond3A_80 {
        %add3A_212 = arith.addi %multiple_of3A, %add3A_54 : i32
        %multiple_of3A_213 = tpu.assume_multiple %add3A_212, 8 : i32
        "tpu.region"() ({
          %run_scoped3A = tpu.sem_alloc : memref<!tpu.dma_semaphore, #tpu.memory_space<semaphore_mem>>
          %dma_start3A_214 = arith.constant 0 : i32
          %dma_start3A_215 = tpu.memref_slice %arg4[%multiple_of3A_213, %dma_start3A_214] : memref<2656x128xi32, #tpu.memory_space<hbm>> -> memref<8x128xi32, #tpu.memory_space<hbm>>
          %dma_start3A_216 = arith.constant 0 : i32
          %dma_start3A_217 = tpu.memref_slice %arg4[%multiple_of3A_213, %dma_start3A_216] : memref<2656x128xi32, #tpu.memory_space<hbm>> -> memref<8x128xi32, #tpu.memory_space<hbm>>
          tpu.enqueue_dma source(%dma_start3A_217 : memref<8x128xi32, #tpu.memory_space<hbm>>) target(%arg8 : memref<8x128xi32, #tpu.memory_space<vmem>>) target_semaphore(%run_scoped3A : memref<!tpu.dma_semaphore, #tpu.memory_space<semaphore_mem>>)
          %dma_wait3A_218 = arith.constant 0 : i32
          %dma_wait3A_219 = tpu.memref_slice %arg4[%multiple_of3A_213, %dma_wait3A_218] : memref<2656x128xi32, #tpu.memory_space<hbm>> -> memref<8x128xi32, #tpu.memory_space<hbm>>
          %dma_wait3A_220 = arith.constant 0 : i32
          %dma_wait3A_221 = tpu.memref_slice %arg4[%multiple_of3A_213, %dma_wait3A_220] : memref<2656x128xi32, #tpu.memory_space<hbm>> -> memref<8x128xi32, #tpu.memory_space<hbm>>
          tpu.wait_dma2 semaphore(%run_scoped3A : memref<!tpu.dma_semaphore, #tpu.memory_space<semaphore_mem>>) src(%dma_wait3A_221 : memref<8x128xi32, #tpu.memory_space<hbm>>) dst(%arg8 : memref<8x128xi32, #tpu.memory_space<vmem>>)
          tpu.yield
        }) : () -> ()
      } else {
      }
      %jit3A_81 = arith.constant 8 : i32
      %eq3A_82 = arith.constant 0 : i32
      %eq3A_83 = arith.cmpi eq, %jit3A_81, %eq3A_82 : i32
      %jit3A_84 = arith.constant 1 : i32
      %select_n3A_85 = arith.select %eq3A_83, %jit3A_84, %jit3A_81 : i32
      %rem3A_86 = arith.remsi %add3A_54, %select_n3A_85 : i32
      %ne3A_87 = arith.constant 0 : i32
      %ne3A_88 = arith.cmpi ne, %rem3A_86, %ne3A_87 : i32
      %lt3A_89 = arith.constant 0 : i32
      %lt3A_90 = arith.cmpi slt, %rem3A_86, %lt3A_89 : i32
      %lt3A_91 = arith.constant 0 : i32
      %lt3A_92 = arith.cmpi slt, %select_n3A_85, %lt3A_91 : i32
      %ne3A_93 = arith.xori %lt3A_90, %lt3A_92 : i1
      %and3A_94 = arith.andi %ne3A_93, %ne3A_88 : i1
      %add3A_95 = arith.addi %rem3A_86, %select_n3A_85 : i32
      %select_n3A_96 = arith.select %and3A_94, %add3A_95, %rem3A_86 : i32
      %dma_start3A_97 = arith.constant 0 : i32
      %dma_start3A_98 = tpu.memref_slice %arg8[%select_n3A_96, %dma_start3A_97] : memref<8x128xi32, #tpu.memory_space<vmem>> -> memref<1x128xi32, #tpu.memory_space<vmem>>
      %dma_start3A_99 = tpu.memref_squeeze %dma_start3A_98 : memref<1x128xi32, #tpu.memory_space<vmem>> -> memref<128xi32, #tpu.memory_space<vmem>>
      %dma_start3A_100 = arith.constant 0 : i32
      %dma_start3A_101 = arith.constant 0 : i32
      %dma_start3A_102 = tpu.memref_slice %arg11[%dma_start3A_100, %dma_start3A_101] : memref<10000x128xf32, #tpu.memory_space<vmem_shared>> -> memref<10000x128xf32, #tpu.memory_space<vmem_shared>>
      tpu.enqueue_indirect_dma source(%arg9 : memref<128x128xf32, #tpu.memory_space<vmem>>) target(%dma_start3A_102 : memref<10000x128xf32, #tpu.memory_space<vmem_shared>>) offsets(%dma_start3A_99 : memref<128xi32, #tpu.memory_space<vmem>>) semaphore(%arg14 : memref<!tpu.dma_semaphore, #tpu.memory_space<semaphore_mem>>) {add = true}
      %jit3A_103 = arith.constant 8 : i32
      %eq3A_104 = arith.constant 0 : i32
      %eq3A_105 = arith.cmpi eq, %jit3A_103, %eq3A_104 : i32
      %jit3A_106 = arith.constant 1 : i32
      %select_n3A_107 = arith.select %eq3A_105, %jit3A_106, %jit3A_103 : i32
      %rem3A_108 = arith.remsi %add3A_54, %select_n3A_107 : i32
      %ne3A_109 = arith.constant 0 : i32
      %ne3A_110 = arith.cmpi ne, %rem3A_108, %ne3A_109 : i32
      %lt3A_111 = arith.constant 0 : i32
      %lt3A_112 = arith.cmpi slt, %rem3A_108, %lt3A_111 : i32
      %lt3A_113 = arith.constant 0 : i32
      %lt3A_114 = arith.cmpi slt, %select_n3A_107, %lt3A_113 : i32
      %ne3A_115 = arith.xori %lt3A_112, %lt3A_114 : i1
      %and3A_116 = arith.andi %ne3A_115, %ne3A_110 : i1
      %add3A_117 = arith.addi %rem3A_108, %select_n3A_107 : i32
      %select_n3A_118 = arith.select %and3A_116, %add3A_117, %rem3A_108 : i32
      %dma_wait3A_119 = arith.constant 0 : i32
      %dma_wait3A_120 = tpu.memref_slice %arg8[%select_n3A_118, %dma_wait3A_119] : memref<8x128xi32, #tpu.memory_space<vmem>> -> memref<1x128xi32, #tpu.memory_space<vmem>>
      %dma_wait3A_121 = tpu.memref_squeeze %dma_wait3A_120 : memref<1x128xi32, #tpu.memory_space<vmem>> -> memref<128xi32, #tpu.memory_space<vmem>>
      %dma_wait3A_122 = arith.constant 0 : i32
      %dma_wait3A_123 = arith.constant 0 : i32
      %dma_wait3A_124 = tpu.memref_slice %arg11[%dma_wait3A_122, %dma_wait3A_123] : memref<10000x128xf32, #tpu.memory_space<vmem_shared>> -> memref<10000x128xf32, #tpu.memory_space<vmem_shared>>
      tpu.wait_indirect_dma semaphore(%arg14 : memref<!tpu.dma_semaphore, #tpu.memory_space<semaphore_mem>>) src(%arg9 : memref<128x128xf32, #tpu.memory_space<vmem>>) dst(%dma_wait3A_124 : memref<10000x128xf32, #tpu.memory_space<vmem_shared>>)
      %add3A_125 = arith.constant 2 : i32
      %add3A_126 = arith.addi %add3A_54, %add3A_125 : i32
      %lt3A_127 = arith.cmpi slt, %add3A_126, %select_n3A : i32
      %convert_element_type3A_128 = arith.extui %lt3A_127 : i1 to i32
      %cond3A_129 = arith.constant 0 : i32
      %cond3A_130 = arith.cmpi ne, %convert_element_type3A_128, %cond3A_129 : i32
      scf.if %cond3A_130 {
        %add3A_212 = arith.constant 2 : i32
        %add3A_213 = arith.addi %add3A_54, %add3A_212 : i32
        %mul3A_214 = arith.constant 128 : i32
        %mul3A_215 = arith.muli %add3A_213, %mul3A_214 : i32
        %dma_start3A_216 = tpu.memref_slice %arg7[%mul3A_215] : memref<16384xi32, #tpu.memory_space<vmem>> -> memref<128xi32, #tpu.memory_space<vmem>>
        %dma_start3A_217 = arith.constant 0 : i32
        %dma_start3A_218 = arith.constant 0 : i32
        %dma_start3A_219 = tpu.memref_slice %arg2[%dma_start3A_217, %dma_start3A_218] : memref<10008x128xf32, #tpu.memory_space<hbm>> -> memref<10008x128xf32, #tpu.memory_space<hbm>>
        tpu.enqueue_indirect_dma source(%dma_start3A_219 : memref<10008x128xf32, #tpu.memory_space<hbm>>) target(%arg9 : memref<128x128xf32, #tpu.memory_space<vmem>>) offsets(%dma_start3A_216 : memref<128xi32, #tpu.memory_space<vmem>>) semaphore(%arg12 : memref<!tpu.dma_semaphore, #tpu.memory_space<semaphore_mem>>)
      } else {
      }
      %mul3A_131 = arith.constant 2 : i32
      %mul3A_132 = arith.muli %while3A_50, %mul3A_131 : i32
      %add3A_133 = arith.constant 1 : i32
      %add3A_134 = arith.addi %mul3A_132, %add3A_133 : i32
      %mul3A_135 = arith.constant 128 : i32
      %mul3A_136 = arith.muli %add3A_134, %mul3A_135 : i32
      %dma_wait3A_137 = tpu.memref_slice %arg7[%mul3A_136] : memref<16384xi32, #tpu.memory_space<vmem>> -> memref<128xi32, #tpu.memory_space<vmem>>
      %dma_wait3A_138 = arith.constant 0 : i32
      %dma_wait3A_139 = arith.constant 0 : i32
      %dma_wait3A_140 = tpu.memref_slice %arg2[%dma_wait3A_138, %dma_wait3A_139] : memref<10008x128xf32, #tpu.memory_space<hbm>> -> memref<10008x128xf32, #tpu.memory_space<hbm>>
      tpu.wait_indirect_dma semaphore(%arg13 : memref<!tpu.dma_semaphore, #tpu.memory_space<semaphore_mem>>) src(%dma_wait3A_140 : memref<10008x128xf32, #tpu.memory_space<hbm>>) dst(%arg10 : memref<128x128xf32, #tpu.memory_space<vmem>>)
      %jit3A_141 = arith.constant 8 : i32
      %eq3A_142 = arith.constant 0 : i32
      %eq3A_143 = arith.cmpi eq, %jit3A_141, %eq3A_142 : i32
      %jit3A_144 = arith.constant 1 : i32
      %select_n3A_145 = arith.select %eq3A_143, %jit3A_144, %jit3A_141 : i32
      %rem3A_146 = arith.remsi %add3A_134, %select_n3A_145 : i32
      %ne3A_147 = arith.constant 0 : i32
      %ne3A_148 = arith.cmpi ne, %rem3A_146, %ne3A_147 : i32
      %lt3A_149 = arith.constant 0 : i32
      %lt3A_150 = arith.cmpi slt, %rem3A_146, %lt3A_149 : i32
      %lt3A_151 = arith.constant 0 : i32
      %lt3A_152 = arith.cmpi slt, %select_n3A_145, %lt3A_151 : i32
      %ne3A_153 = arith.xori %lt3A_150, %lt3A_152 : i1
      %and3A_154 = arith.andi %ne3A_153, %ne3A_148 : i1
      %add3A_155 = arith.addi %rem3A_146, %select_n3A_145 : i32
      %select_n3A_156 = arith.select %and3A_154, %add3A_155, %rem3A_146 : i32
      %eq3A_157 = arith.constant 0 : i32
      %eq3A_158 = arith.cmpi eq, %select_n3A_156, %eq3A_157 : i32
      %convert_element_type3A_159 = arith.extui %eq3A_158 : i1 to i32
      %cond3A_160 = arith.constant 0 : i32
      %cond3A_161 = arith.cmpi ne, %convert_element_type3A_159, %cond3A_160 : i32
      scf.if %cond3A_161 {
        %add3A_212 = arith.addi %multiple_of3A, %add3A_134 : i32
        %multiple_of3A_213 = tpu.assume_multiple %add3A_212, 8 : i32
        "tpu.region"() ({
          %run_scoped3A = tpu.sem_alloc : memref<!tpu.dma_semaphore, #tpu.memory_space<semaphore_mem>>
          %dma_start3A_214 = arith.constant 0 : i32
          %dma_start3A_215 = tpu.memref_slice %arg4[%multiple_of3A_213, %dma_start3A_214] : memref<2656x128xi32, #tpu.memory_space<hbm>> -> memref<8x128xi32, #tpu.memory_space<hbm>>
          %dma_start3A_216 = arith.constant 0 : i32
          %dma_start3A_217 = tpu.memref_slice %arg4[%multiple_of3A_213, %dma_start3A_216] : memref<2656x128xi32, #tpu.memory_space<hbm>> -> memref<8x128xi32, #tpu.memory_space<hbm>>
          tpu.enqueue_dma source(%dma_start3A_217 : memref<8x128xi32, #tpu.memory_space<hbm>>) target(%arg8 : memref<8x128xi32, #tpu.memory_space<vmem>>) target_semaphore(%run_scoped3A : memref<!tpu.dma_semaphore, #tpu.memory_space<semaphore_mem>>)
          %dma_wait3A_218 = arith.constant 0 : i32
          %dma_wait3A_219 = tpu.memref_slice %arg4[%multiple_of3A_213, %dma_wait3A_218] : memref<2656x128xi32, #tpu.memory_space<hbm>> -> memref<8x128xi32, #tpu.memory_space<hbm>>
          %dma_wait3A_220 = arith.constant 0 : i32
          %dma_wait3A_221 = tpu.memref_slice %arg4[%multiple_of3A_213, %dma_wait3A_220] : memref<2656x128xi32, #tpu.memory_space<hbm>> -> memref<8x128xi32, #tpu.memory_space<hbm>>
          tpu.wait_dma2 semaphore(%run_scoped3A : memref<!tpu.dma_semaphore, #tpu.memory_space<semaphore_mem>>) src(%dma_wait3A_221 : memref<8x128xi32, #tpu.memory_space<hbm>>) dst(%arg8 : memref<8x128xi32, #tpu.memory_space<vmem>>)
          tpu.yield
        }) : () -> ()
      } else {
      }
      %jit3A_162 = arith.constant 8 : i32
      %eq3A_163 = arith.constant 0 : i32
      %eq3A_164 = arith.cmpi eq, %jit3A_162, %eq3A_163 : i32
      %jit3A_165 = arith.constant 1 : i32
      %select_n3A_166 = arith.select %eq3A_164, %jit3A_165, %jit3A_162 : i32
      %rem3A_167 = arith.remsi %add3A_134, %select_n3A_166 : i32
      %ne3A_168 = arith.constant 0 : i32
      %ne3A_169 = arith.cmpi ne, %rem3A_167, %ne3A_168 : i32
      %lt3A_170 = arith.constant 0 : i32
      %lt3A_171 = arith.cmpi slt, %rem3A_167, %lt3A_170 : i32
      %lt3A_172 = arith.constant 0 : i32
      %lt3A_173 = arith.cmpi slt, %select_n3A_166, %lt3A_172 : i32
      %ne3A_174 = arith.xori %lt3A_171, %lt3A_173 : i1
      %and3A_175 = arith.andi %ne3A_174, %ne3A_169 : i1
      %add3A_176 = arith.addi %rem3A_167, %select_n3A_166 : i32
      %select_n3A_177 = arith.select %and3A_175, %add3A_176, %rem3A_167 : i32
      %dma_start3A_178 = arith.constant 0 : i32
      %dma_start3A_179 = tpu.memref_slice %arg8[%select_n3A_177, %dma_start3A_178] : memref<8x128xi32, #tpu.memory_space<vmem>> -> memref<1x128xi32, #tpu.memory_space<vmem>>
      %dma_start3A_180 = tpu.memref_squeeze %dma_start3A_179 : memref<1x128xi32, #tpu.memory_space<vmem>> -> memref<128xi32, #tpu.memory_space<vmem>>
      %dma_start3A_181 = arith.constant 0 : i32
      %dma_start3A_182 = arith.constant 0 : i32
      %dma_start3A_183 = tpu.memref_slice %arg11[%dma_start3A_181, %dma_start3A_182] : memref<10000x128xf32, #tpu.memory_space<vmem_shared>> -> memref<10000x128xf32, #tpu.memory_space<vmem_shared>>
      tpu.enqueue_indirect_dma source(%arg10 : memref<128x128xf32, #tpu.memory_space<vmem>>) target(%dma_start3A_183 : memref<10000x128xf32, #tpu.memory_space<vmem_shared>>) offsets(%dma_start3A_180 : memref<128xi32, #tpu.memory_space<vmem>>) semaphore(%arg15 : memref<!tpu.dma_semaphore, #tpu.memory_space<semaphore_mem>>) {add = true}
      %jit3A_184 = arith.constant 8 : i32
      %eq3A_185 = arith.constant 0 : i32
      %eq3A_186 = arith.cmpi eq, %jit3A_184, %eq3A_185 : i32
      %jit3A_187 = arith.constant 1 : i32
      %select_n3A_188 = arith.select %eq3A_186, %jit3A_187, %jit3A_184 : i32
      %rem3A_189 = arith.remsi %add3A_134, %select_n3A_188 : i32
      %ne3A_190 = arith.constant 0 : i32
      %ne3A_191 = arith.cmpi ne, %rem3A_189, %ne3A_190 : i32
      %lt3A_192 = arith.constant 0 : i32
      %lt3A_193 = arith.cmpi slt, %rem3A_189, %lt3A_192 : i32
      %lt3A_194 = arith.constant 0 : i32
      %lt3A_195 = arith.cmpi slt, %select_n3A_188, %lt3A_194 : i32
      %ne3A_196 = arith.xori %lt3A_193, %lt3A_195 : i1
      %and3A_197 = arith.andi %ne3A_196, %ne3A_191 : i1
      %add3A_198 = arith.addi %rem3A_189, %select_n3A_188 : i32
      %select_n3A_199 = arith.select %and3A_197, %add3A_198, %rem3A_189 : i32
      %dma_wait3A_200 = arith.constant 0 : i32
      %dma_wait3A_201 = tpu.memref_slice %arg8[%select_n3A_199, %dma_wait3A_200] : memref<8x128xi32, #tpu.memory_space<vmem>> -> memref<1x128xi32, #tpu.memory_space<vmem>>
      %dma_wait3A_202 = tpu.memref_squeeze %dma_wait3A_201 : memref<1x128xi32, #tpu.memory_space<vmem>> -> memref<128xi32, #tpu.memory_space<vmem>>
      %dma_wait3A_203 = arith.constant 0 : i32
      %dma_wait3A_204 = arith.constant 0 : i32
      %dma_wait3A_205 = tpu.memref_slice %arg11[%dma_wait3A_203, %dma_wait3A_204] : memref<10000x128xf32, #tpu.memory_space<vmem_shared>> -> memref<10000x128xf32, #tpu.memory_space<vmem_shared>>
      tpu.wait_indirect_dma semaphore(%arg15 : memref<!tpu.dma_semaphore, #tpu.memory_space<semaphore_mem>>) src(%arg10 : memref<128x128xf32, #tpu.memory_space<vmem>>) dst(%dma_wait3A_205 : memref<10000x128xf32, #tpu.memory_space<vmem_shared>>)
      %add3A_206 = arith.constant 2 : i32
      %add3A_207 = arith.addi %add3A_134, %add3A_206 : i32
      %lt3A_208 = arith.cmpi slt, %add3A_207, %select_n3A : i32
      %convert_element_type3A_209 = arith.extui %lt3A_208 : i1 to i32
      %cond3A_210 = arith.constant 0 : i32
      %cond3A_211 = arith.cmpi ne, %convert_element_type3A_209, %cond3A_210 : i32
      scf.if %cond3A_211 {
        %add3A_212 = arith.constant 2 : i32
        %add3A_213 = arith.addi %add3A_134, %add3A_212 : i32
        %mul3A_214 = arith.constant 128 : i32
        %mul3A_215 = arith.muli %add3A_213, %mul3A_214 : i32
        %dma_start3A_216 = tpu.memref_slice %arg7[%mul3A_215] : memref<16384xi32, #tpu.memory_space<vmem>> -> memref<128xi32, #tpu.memory_space<vmem>>
        %dma_start3A_217 = arith.constant 0 : i32
        %dma_start3A_218 = arith.constant 0 : i32
        %dma_start3A_219 = tpu.memref_slice %arg2[%dma_start3A_217, %dma_start3A_218] : memref<10008x128xf32, #tpu.memory_space<hbm>> -> memref<10008x128xf32, #tpu.memory_space<hbm>>
        tpu.enqueue_indirect_dma source(%dma_start3A_219 : memref<10008x128xf32, #tpu.memory_space<hbm>>) target(%arg10 : memref<128x128xf32, #tpu.memory_space<vmem>>) offsets(%dma_start3A_216 : memref<128xi32, #tpu.memory_space<vmem>>) semaphore(%arg13 : memref<!tpu.dma_semaphore, #tpu.memory_space<semaphore_mem>>)
      } else {
      }
    }
    %while3A_43 = arith.constant 1 : i32
    scf.for %while3A_50 = %while3A_41 to %while3A_37 step %while3A_43  : i32 {
      %mul3A_51 = arith.constant 2 : i32
      %mul3A_52 = arith.muli %while3A_50, %mul3A_51 : i32
      %add3A_53 = arith.constant 0 : i32
      %add3A_54 = arith.addi %mul3A_52, %add3A_53 : i32
      %mul3A_55 = arith.constant 128 : i32
      %mul3A_56 = arith.muli %add3A_54, %mul3A_55 : i32
      %dma_wait3A = tpu.memref_slice %arg7[%mul3A_56] : memref<16384xi32, #tpu.memory_space<vmem>> -> memref<128xi32, #tpu.memory_space<vmem>>
      %dma_wait3A_57 = arith.constant 0 : i32
      %dma_wait3A_58 = arith.constant 0 : i32
      %dma_wait3A_59 = tpu.memref_slice %arg2[%dma_wait3A_57, %dma_wait3A_58] : memref<10008x128xf32, #tpu.memory_space<hbm>> -> memref<10008x128xf32, #tpu.memory_space<hbm>>
      tpu.wait_indirect_dma semaphore(%arg12 : memref<!tpu.dma_semaphore, #tpu.memory_space<semaphore_mem>>) src(%dma_wait3A_59 : memref<10008x128xf32, #tpu.memory_space<hbm>>) dst(%arg9 : memref<128x128xf32, #tpu.memory_space<vmem>>)
      %jit3A_60 = arith.constant 8 : i32
      %eq3A_61 = arith.constant 0 : i32
      %eq3A_62 = arith.cmpi eq, %jit3A_60, %eq3A_61 : i32
      %jit3A_63 = arith.constant 1 : i32
      %select_n3A_64 = arith.select %eq3A_62, %jit3A_63, %jit3A_60 : i32
      %rem3A_65 = arith.remsi %add3A_54, %select_n3A_64 : i32
      %ne3A_66 = arith.constant 0 : i32
      %ne3A_67 = arith.cmpi ne, %rem3A_65, %ne3A_66 : i32
      %lt3A_68 = arith.constant 0 : i32
      %lt3A_69 = arith.cmpi slt, %rem3A_65, %lt3A_68 : i32
      %lt3A_70 = arith.constant 0 : i32
      %lt3A_71 = arith.cmpi slt, %select_n3A_64, %lt3A_70 : i32
      %ne3A_72 = arith.xori %lt3A_69, %lt3A_71 : i1
      %and3A_73 = arith.andi %ne3A_72, %ne3A_67 : i1
      %add3A_74 = arith.addi %rem3A_65, %select_n3A_64 : i32
      %select_n3A_75 = arith.select %and3A_73, %add3A_74, %rem3A_65 : i32
      %eq3A_76 = arith.constant 0 : i32
      %eq3A_77 = arith.cmpi eq, %select_n3A_75, %eq3A_76 : i32
      %convert_element_type3A_78 = arith.extui %eq3A_77 : i1 to i32
      %cond3A_79 = arith.constant 0 : i32
      %cond3A_80 = arith.cmpi ne, %convert_element_type3A_78, %cond3A_79 : i32
      scf.if %cond3A_80 {
        %add3A_212 = arith.addi %multiple_of3A, %add3A_54 : i32
        %multiple_of3A_213 = tpu.assume_multiple %add3A_212, 8 : i32
        "tpu.region"() ({
          %run_scoped3A = tpu.sem_alloc : memref<!tpu.dma_semaphore, #tpu.memory_space<semaphore_mem>>
          %dma_start3A_214 = arith.constant 0 : i32
          %dma_start3A_215 = tpu.memref_slice %arg4[%multiple_of3A_213, %dma_start3A_214] : memref<2656x128xi32, #tpu.memory_space<hbm>> -> memref<8x128xi32, #tpu.memory_space<hbm>>
          %dma_start3A_216 = arith.constant 0 : i32
          %dma_start3A_217 = tpu.memref_slice %arg4[%multiple_of3A_213, %dma_start3A_216] : memref<2656x128xi32, #tpu.memory_space<hbm>> -> memref<8x128xi32, #tpu.memory_space<hbm>>
          tpu.enqueue_dma source(%dma_start3A_217 : memref<8x128xi32, #tpu.memory_space<hbm>>) target(%arg8 : memref<8x128xi32, #tpu.memory_space<vmem>>) target_semaphore(%run_scoped3A : memref<!tpu.dma_semaphore, #tpu.memory_space<semaphore_mem>>)
          %dma_wait3A_218 = arith.constant 0 : i32
          %dma_wait3A_219 = tpu.memref_slice %arg4[%multiple_of3A_213, %dma_wait3A_218] : memref<2656x128xi32, #tpu.memory_space<hbm>> -> memref<8x128xi32, #tpu.memory_space<hbm>>
          %dma_wait3A_220 = arith.constant 0 : i32
          %dma_wait3A_221 = tpu.memref_slice %arg4[%multiple_of3A_213, %dma_wait3A_220] : memref<2656x128xi32, #tpu.memory_space<hbm>> -> memref<8x128xi32, #tpu.memory_space<hbm>>
          tpu.wait_dma2 semaphore(%run_scoped3A : memref<!tpu.dma_semaphore, #tpu.memory_space<semaphore_mem>>) src(%dma_wait3A_221 : memref<8x128xi32, #tpu.memory_space<hbm>>) dst(%arg8 : memref<8x128xi32, #tpu.memory_space<vmem>>)
          tpu.yield
        }) : () -> ()
      } else {
      }
      %jit3A_81 = arith.constant 8 : i32
      %eq3A_82 = arith.constant 0 : i32
      %eq3A_83 = arith.cmpi eq, %jit3A_81, %eq3A_82 : i32
      %jit3A_84 = arith.constant 1 : i32
      %select_n3A_85 = arith.select %eq3A_83, %jit3A_84, %jit3A_81 : i32
      %rem3A_86 = arith.remsi %add3A_54, %select_n3A_85 : i32
      %ne3A_87 = arith.constant 0 : i32
      %ne3A_88 = arith.cmpi ne, %rem3A_86, %ne3A_87 : i32
      %lt3A_89 = arith.constant 0 : i32
      %lt3A_90 = arith.cmpi slt, %rem3A_86, %lt3A_89 : i32
      %lt3A_91 = arith.constant 0 : i32
      %lt3A_92 = arith.cmpi slt, %select_n3A_85, %lt3A_91 : i32
      %ne3A_93 = arith.xori %lt3A_90, %lt3A_92 : i1
      %and3A_94 = arith.andi %ne3A_93, %ne3A_88 : i1
      %add3A_95 = arith.addi %rem3A_86, %select_n3A_85 : i32
      %select_n3A_96 = arith.select %and3A_94, %add3A_95, %rem3A_86 : i32
      %dma_start3A_97 = arith.constant 0 : i32
      %dma_start3A_98 = tpu.memref_slice %arg8[%select_n3A_96, %dma_start3A_97] : memref<8x128xi32, #tpu.memory_space<vmem>> -> memref<1x128xi32, #tpu.memory_space<vmem>>
      %dma_start3A_99 = tpu.memref_squeeze %dma_start3A_98 : memref<1x128xi32, #tpu.memory_space<vmem>> -> memref<128xi32, #tpu.memory_space<vmem>>
      %dma_start3A_100 = arith.constant 0 : i32
      %dma_start3A_101 = arith.constant 0 : i32
      %dma_start3A_102 = tpu.memref_slice %arg11[%dma_start3A_100, %dma_start3A_101] : memref<10000x128xf32, #tpu.memory_space<vmem_shared>> -> memref<10000x128xf32, #tpu.memory_space<vmem_shared>>
      tpu.enqueue_indirect_dma source(%arg9 : memref<128x128xf32, #tpu.memory_space<vmem>>) target(%dma_start3A_102 : memref<10000x128xf32, #tpu.memory_space<vmem_shared>>) offsets(%dma_start3A_99 : memref<128xi32, #tpu.memory_space<vmem>>) semaphore(%arg14 : memref<!tpu.dma_semaphore, #tpu.memory_space<semaphore_mem>>) {add = true}
      %jit3A_103 = arith.constant 8 : i32
      %eq3A_104 = arith.constant 0 : i32
      %eq3A_105 = arith.cmpi eq, %jit3A_103, %eq3A_104 : i32
      %jit3A_106 = arith.constant 1 : i32
      %select_n3A_107 = arith.select %eq3A_105, %jit3A_106, %jit3A_103 : i32
      %rem3A_108 = arith.remsi %add3A_54, %select_n3A_107 : i32
      %ne3A_109 = arith.constant 0 : i32
      %ne3A_110 = arith.cmpi ne, %rem3A_108, %ne3A_109 : i32
      %lt3A_111 = arith.constant 0 : i32
      %lt3A_112 = arith.cmpi slt, %rem3A_108, %lt3A_111 : i32
      %lt3A_113 = arith.constant 0 : i32
      %lt3A_114 = arith.cmpi slt, %select_n3A_107, %lt3A_113 : i32
      %ne3A_115 = arith.xori %lt3A_112, %lt3A_114 : i1
      %and3A_116 = arith.andi %ne3A_115, %ne3A_110 : i1
      %add3A_117 = arith.addi %rem3A_108, %select_n3A_107 : i32
      %select_n3A_118 = arith.select %and3A_116, %add3A_117, %rem3A_108 : i32
      %dma_wait3A_119 = arith.constant 0 : i32
      %dma_wait3A_120 = tpu.memref_slice %arg8[%select_n3A_118, %dma_wait3A_119] : memref<8x128xi32, #tpu.memory_space<vmem>> -> memref<1x128xi32, #tpu.memory_space<vmem>>
      %dma_wait3A_121 = tpu.memref_squeeze %dma_wait3A_120 : memref<1x128xi32, #tpu.memory_space<vmem>> -> memref<128xi32, #tpu.memory_space<vmem>>
      %dma_wait3A_122 = arith.constant 0 : i32
      %dma_wait3A_123 = arith.constant 0 : i32
      %dma_wait3A_124 = tpu.memref_slice %arg11[%dma_wait3A_122, %dma_wait3A_123] : memref<10000x128xf32, #tpu.memory_space<vmem_shared>> -> memref<10000x128xf32, #tpu.memory_space<vmem_shared>>
      tpu.wait_indirect_dma semaphore(%arg14 : memref<!tpu.dma_semaphore, #tpu.memory_space<semaphore_mem>>) src(%arg9 : memref<128x128xf32, #tpu.memory_space<vmem>>) dst(%dma_wait3A_124 : memref<10000x128xf32, #tpu.memory_space<vmem_shared>>)
      %add3A_125 = arith.constant 2 : i32
      %add3A_126 = arith.addi %add3A_54, %add3A_125 : i32
      %lt3A_127 = arith.cmpi slt, %add3A_126, %select_n3A : i32
      %convert_element_type3A_128 = arith.extui %lt3A_127 : i1 to i32
      %cond3A_129 = arith.constant 0 : i32
      %cond3A_130 = arith.cmpi ne, %convert_element_type3A_128, %cond3A_129 : i32
      scf.if %cond3A_130 {
        %add3A_212 = arith.constant 2 : i32
        %add3A_213 = arith.addi %add3A_54, %add3A_212 : i32
        %mul3A_214 = arith.constant 128 : i32
        %mul3A_215 = arith.muli %add3A_213, %mul3A_214 : i32
        %dma_start3A_216 = tpu.memref_slice %arg7[%mul3A_215] : memref<16384xi32, #tpu.memory_space<vmem>> -> memref<128xi32, #tpu.memory_space<vmem>>
        %dma_start3A_217 = arith.constant 0 : i32
        %dma_start3A_218 = arith.constant 0 : i32
        %dma_start3A_219 = tpu.memref_slice %arg2[%dma_start3A_217, %dma_start3A_218] : memref<10008x128xf32, #tpu.memory_space<hbm>> -> memref<10008x128xf32, #tpu.memory_space<hbm>>
        tpu.enqueue_indirect_dma source(%dma_start3A_219 : memref<10008x128xf32, #tpu.memory_space<hbm>>) target(%arg9 : memref<128x128xf32, #tpu.memory_space<vmem>>) offsets(%dma_start3A_216 : memref<128xi32, #tpu.memory_space<vmem>>) semaphore(%arg12 : memref<!tpu.dma_semaphore, #tpu.memory_space<semaphore_mem>>)
      } else {
      }
      %mul3A_131 = arith.constant 2 : i32
      %mul3A_132 = arith.muli %while3A_50, %mul3A_131 : i32
      %add3A_133 = arith.constant 1 : i32
      %add3A_134 = arith.addi %mul3A_132, %add3A_133 : i32
      %mul3A_135 = arith.constant 128 : i32
      %mul3A_136 = arith.muli %add3A_134, %mul3A_135 : i32
      %dma_wait3A_137 = tpu.memref_slice %arg7[%mul3A_136] : memref<16384xi32, #tpu.memory_space<vmem>> -> memref<128xi32, #tpu.memory_space<vmem>>
      %dma_wait3A_138 = arith.constant 0 : i32
      %dma_wait3A_139 = arith.constant 0 : i32
      %dma_wait3A_140 = tpu.memref_slice %arg2[%dma_wait3A_138, %dma_wait3A_139] : memref<10008x128xf32, #tpu.memory_space<hbm>> -> memref<10008x128xf32, #tpu.memory_space<hbm>>
      tpu.wait_indirect_dma semaphore(%arg13 : memref<!tpu.dma_semaphore, #tpu.memory_space<semaphore_mem>>) src(%dma_wait3A_140 : memref<10008x128xf32, #tpu.memory_space<hbm>>) dst(%arg10 : memref<128x128xf32, #tpu.memory_space<vmem>>)
      %jit3A_141 = arith.constant 8 : i32
      %eq3A_142 = arith.constant 0 : i32
      %eq3A_143 = arith.cmpi eq, %jit3A_141, %eq3A_142 : i32
      %jit3A_144 = arith.constant 1 : i32
      %select_n3A_145 = arith.select %eq3A_143, %jit3A_144, %jit3A_141 : i32
      %rem3A_146 = arith.remsi %add3A_134, %select_n3A_145 : i32
      %ne3A_147 = arith.constant 0 : i32
      %ne3A_148 = arith.cmpi ne, %rem3A_146, %ne3A_147 : i32
      %lt3A_149 = arith.constant 0 : i32
      %lt3A_150 = arith.cmpi slt, %rem3A_146, %lt3A_149 : i32
      %lt3A_151 = arith.constant 0 : i32
      %lt3A_152 = arith.cmpi slt, %select_n3A_145, %lt3A_151 : i32
      %ne3A_153 = arith.xori %lt3A_150, %lt3A_152 : i1
      %and3A_154 = arith.andi %ne3A_153, %ne3A_148 : i1
      %add3A_155 = arith.addi %rem3A_146, %select_n3A_145 : i32
      %select_n3A_156 = arith.select %and3A_154, %add3A_155, %rem3A_146 : i32
      %eq3A_157 = arith.constant 0 : i32
      %eq3A_158 = arith.cmpi eq, %select_n3A_156, %eq3A_157 : i32
      %convert_element_type3A_159 = arith.extui %eq3A_158 : i1 to i32
      %cond3A_160 = arith.constant 0 : i32
      %cond3A_161 = arith.cmpi ne, %convert_element_type3A_159, %cond3A_160 : i32
      scf.if %cond3A_161 {
        %add3A_212 = arith.addi %multiple_of3A, %add3A_134 : i32
        %multiple_of3A_213 = tpu.assume_multiple %add3A_212, 8 : i32
        "tpu.region"() ({
          %run_scoped3A = tpu.sem_alloc : memref<!tpu.dma_semaphore, #tpu.memory_space<semaphore_mem>>
          %dma_start3A_214 = arith.constant 0 : i32
          %dma_start3A_215 = tpu.memref_slice %arg4[%multiple_of3A_213, %dma_start3A_214] : memref<2656x128xi32, #tpu.memory_space<hbm>> -> memref<8x128xi32, #tpu.memory_space<hbm>>
          %dma_start3A_216 = arith.constant 0 : i32
          %dma_start3A_217 = tpu.memref_slice %arg4[%multiple_of3A_213, %dma_start3A_216] : memref<2656x128xi32, #tpu.memory_space<hbm>> -> memref<8x128xi32, #tpu.memory_space<hbm>>
          tpu.enqueue_dma source(%dma_start3A_217 : memref<8x128xi32, #tpu.memory_space<hbm>>) target(%arg8 : memref<8x128xi32, #tpu.memory_space<vmem>>) target_semaphore(%run_scoped3A : memref<!tpu.dma_semaphore, #tpu.memory_space<semaphore_mem>>)
          %dma_wait3A_218 = arith.constant 0 : i32
          %dma_wait3A_219 = tpu.memref_slice %arg4[%multiple_of3A_213, %dma_wait3A_218] : memref<2656x128xi32, #tpu.memory_space<hbm>> -> memref<8x128xi32, #tpu.memory_space<hbm>>
          %dma_wait3A_220 = arith.constant 0 : i32
          %dma_wait3A_221 = tpu.memref_slice %arg4[%multiple_of3A_213, %dma_wait3A_220] : memref<2656x128xi32, #tpu.memory_space<hbm>> -> memref<8x128xi32, #tpu.memory_space<hbm>>
          tpu.wait_dma2 semaphore(%run_scoped3A : memref<!tpu.dma_semaphore, #tpu.memory_space<semaphore_mem>>) src(%dma_wait3A_221 : memref<8x128xi32, #tpu.memory_space<hbm>>) dst(%arg8 : memref<8x128xi32, #tpu.memory_space<vmem>>)
          tpu.yield
        }) : () -> ()
      } else {
      }
      %jit3A_162 = arith.constant 8 : i32
      %eq3A_163 = arith.constant 0 : i32
      %eq3A_164 = arith.cmpi eq, %jit3A_162, %eq3A_163 : i32
      %jit3A_165 = arith.constant 1 : i32
      %select_n3A_166 = arith.select %eq3A_164, %jit3A_165, %jit3A_162 : i32
      %rem3A_167 = arith.remsi %add3A_134, %select_n3A_166 : i32
      %ne3A_168 = arith.constant 0 : i32
      %ne3A_169 = arith.cmpi ne, %rem3A_167, %ne3A_168 : i32
      %lt3A_170 = arith.constant 0 : i32
      %lt3A_171 = arith.cmpi slt, %rem3A_167, %lt3A_170 : i32
      %lt3A_172 = arith.constant 0 : i32
      %lt3A_173 = arith.cmpi slt, %select_n3A_166, %lt3A_172 : i32
      %ne3A_174 = arith.xori %lt3A_171, %lt3A_173 : i1
      %and3A_175 = arith.andi %ne3A_174, %ne3A_169 : i1
      %add3A_176 = arith.addi %rem3A_167, %select_n3A_166 : i32
      %select_n3A_177 = arith.select %and3A_175, %add3A_176, %rem3A_167 : i32
      %dma_start3A_178 = arith.constant 0 : i32
      %dma_start3A_179 = tpu.memref_slice %arg8[%select_n3A_177, %dma_start3A_178] : memref<8x128xi32, #tpu.memory_space<vmem>> -> memref<1x128xi32, #tpu.memory_space<vmem>>
      %dma_start3A_180 = tpu.memref_squeeze %dma_start3A_179 : memref<1x128xi32, #tpu.memory_space<vmem>> -> memref<128xi32, #tpu.memory_space<vmem>>
      %dma_start3A_181 = arith.constant 0 : i32
      %dma_start3A_182 = arith.constant 0 : i32
      %dma_start3A_183 = tpu.memref_slice %arg11[%dma_start3A_181, %dma_start3A_182] : memref<10000x128xf32, #tpu.memory_space<vmem_shared>> -> memref<10000x128xf32, #tpu.memory_space<vmem_shared>>
      tpu.enqueue_indirect_dma source(%arg10 : memref<128x128xf32, #tpu.memory_space<vmem>>) target(%dma_start3A_183 : memref<10000x128xf32, #tpu.memory_space<vmem_shared>>) offsets(%dma_start3A_180 : memref<128xi32, #tpu.memory_space<vmem>>) semaphore(%arg15 : memref<!tpu.dma_semaphore, #tpu.memory_space<semaphore_mem>>) {add = true}
      %jit3A_184 = arith.constant 8 : i32
      %eq3A_185 = arith.constant 0 : i32
      %eq3A_186 = arith.cmpi eq, %jit3A_184, %eq3A_185 : i32
      %jit3A_187 = arith.constant 1 : i32
      %select_n3A_188 = arith.select %eq3A_186, %jit3A_187, %jit3A_184 : i32
      %rem3A_189 = arith.remsi %add3A_134, %select_n3A_188 : i32
      %ne3A_190 = arith.constant 0 : i32
      %ne3A_191 = arith.cmpi ne, %rem3A_189, %ne3A_190 : i32
      %lt3A_192 = arith.constant 0 : i32
      %lt3A_193 = arith.cmpi slt, %rem3A_189, %lt3A_192 : i32
      %lt3A_194 = arith.constant 0 : i32
      %lt3A_195 = arith.cmpi slt, %select_n3A_188, %lt3A_194 : i32
      %ne3A_196 = arith.xori %lt3A_193, %lt3A_195 : i1
      %and3A_197 = arith.andi %ne3A_196, %ne3A_191 : i1
      %add3A_198 = arith.addi %rem3A_189, %select_n3A_188 : i32
      %select_n3A_199 = arith.select %and3A_197, %add3A_198, %rem3A_189 : i32
      %dma_wait3A_200 = arith.constant 0 : i32
      %dma_wait3A_201 = tpu.memref_slice %arg8[%select_n3A_199, %dma_wait3A_200] : memref<8x128xi32, #tpu.memory_space<vmem>> -> memref<1x128xi32, #tpu.memory_space<vmem>>
      %dma_wait3A_202 = tpu.memref_squeeze %dma_wait3A_201 : memref<1x128xi32, #tpu.memory_space<vmem>> -> memref<128xi32, #tpu.memory_space<vmem>>
      %dma_wait3A_203 = arith.constant 0 : i32
      %dma_wait3A_204 = arith.constant 0 : i32
      %dma_wait3A_205 = tpu.memref_slice %arg11[%dma_wait3A_203, %dma_wait3A_204] : memref<10000x128xf32, #tpu.memory_space<vmem_shared>> -> memref<10000x128xf32, #tpu.memory_space<vmem_shared>>
      tpu.wait_indirect_dma semaphore(%arg15 : memref<!tpu.dma_semaphore, #tpu.memory_space<semaphore_mem>>) src(%arg10 : memref<128x128xf32, #tpu.memory_space<vmem>>) dst(%dma_wait3A_205 : memref<10000x128xf32, #tpu.memory_space<vmem_shared>>)
      %add3A_206 = arith.constant 2 : i32
      %add3A_207 = arith.addi %add3A_134, %add3A_206 : i32
      %lt3A_208 = arith.cmpi slt, %add3A_207, %select_n3A : i32
      %convert_element_type3A_209 = arith.extui %lt3A_208 : i1 to i32
      %cond3A_210 = arith.constant 0 : i32
      %cond3A_211 = arith.cmpi ne, %convert_element_type3A_209, %cond3A_210 : i32
      scf.if %cond3A_211 {
        %add3A_212 = arith.constant 2 : i32
        %add3A_213 = arith.addi %add3A_134, %add3A_212 : i32
        %mul3A_214 = arith.constant 128 : i32
        %mul3A_215 = arith.muli %add3A_213, %mul3A_214 : i32
        %dma_start3A_216 = tpu.memref_slice %arg7[%mul3A_215] : memref<16384xi32, #tpu.memory_space<vmem>> -> memref<128xi32, #tpu.memory_space<vmem>>
        %dma_start3A_217 = arith.constant 0 : i32
        %dma_start3A_218 = arith.constant 0 : i32
        %dma_start3A_219 = tpu.memref_slice %arg2[%dma_start3A_217, %dma_start3A_218] : memref<10008x128xf32, #tpu.memory_space<hbm>> -> memref<10008x128xf32, #tpu.memory_space<hbm>>
        tpu.enqueue_indirect_dma source(%dma_start3A_219 : memref<10008x128xf32, #tpu.memory_space<hbm>>) target(%arg10 : memref<128x128xf32, #tpu.memory_space<vmem>>) offsets(%dma_start3A_216 : memref<128xi32, #tpu.memory_space<vmem>>) semaphore(%arg13 : memref<!tpu.dma_semaphore, #tpu.memory_space<semaphore_mem>>)
      } else {
      }
    }
    %barrier3A_44 = arith.constant 0 : index
    tpu.barrier barrier_id(%barrier3A_44)
    %lt3A_45 = arith.constant 10 : i32
    %lt3A_46 = arith.cmpi slt, %arg1, %lt3A_45 : i32
    %convert_element_type3A_47 = arith.extui %lt3A_46 : i1 to i32
    %cond3A_48 = arith.constant 0 : i32
    %cond3A_49 = arith.cmpi ne, %convert_element_type3A_47, %cond3A_48 : i32
    scf.if %cond3A_49 {
      %mul3A_50 = arith.constant 1000 : i32
      %mul3A_51 = arith.muli %arg1, %mul3A_50 : i32
      %mul3A_52 = arith.constant 10000 : i32
      %mul3A_53 = arith.muli %arg0, %mul3A_52 : i32
      %mul3A_54 = arith.constant 1000 : i32
      %mul3A_55 = arith.muli %arg1, %mul3A_54 : i32
      %add3A_56 = arith.addi %mul3A_53, %mul3A_55 : i32
      "tpu.region"() ({
        %run_scoped3A = tpu.sem_alloc : memref<!tpu.dma_semaphore, #tpu.memory_space<semaphore_mem>>
        %dma_start3A_57 = arith.constant 0 : i32
        %dma_start3A_58 = tpu.memref_slice %arg6[%add3A_56, %dma_start3A_57] : memref<20000x128xf32, #tpu.memory_space<hbm>> -> memref<1000x128xf32, #tpu.memory_space<hbm>>
        %dma_start3A_59 = arith.constant 0 : i32
        %dma_start3A_60 = tpu.memref_slice %arg11[%mul3A_51, %dma_start3A_59] : memref<10000x128xf32, #tpu.memory_space<vmem_shared>> -> memref<1000x128xf32, #tpu.memory_space<vmem_shared>>
        tpu.enqueue_dma source(%dma_start3A_60 : memref<1000x128xf32, #tpu.memory_space<vmem_shared>>) target(%dma_start3A_58 : memref<1000x128xf32, #tpu.memory_space<hbm>>) target_semaphore(%run_scoped3A : memref<!tpu.dma_semaphore, #tpu.memory_space<semaphore_mem>>)
        %dma_wait3A = arith.constant 0 : i32
        %dma_wait3A_61 = tpu.memref_slice %arg6[%add3A_56, %dma_wait3A] : memref<20000x128xf32, #tpu.memory_space<hbm>> -> memref<1000x128xf32, #tpu.memory_space<hbm>>
        %dma_wait3A_62 = arith.constant 0 : i32
        %dma_wait3A_63 = tpu.memref_slice %arg11[%mul3A_51, %dma_wait3A_62] : memref<10000x128xf32, #tpu.memory_space<vmem_shared>> -> memref<1000x128xf32, #tpu.memory_space<vmem_shared>>
        tpu.wait_dma2 semaphore(%run_scoped3A : memref<!tpu.dma_semaphore, #tpu.memory_space<semaphore_mem>>) src(%dma_wait3A_63 : memref<1000x128xf32, #tpu.memory_space<vmem_shared>>) dst(%dma_wait3A_61 : memref<1000x128xf32, #tpu.memory_space<hbm>>)
        tpu.yield
      }) : () -> ()
    } else {
    }
    return
  }
}

module attributes {stable_mosaic.version = 14 : i64} {
  func.func @_tc_scale_matmul(%arg0: i32, %arg1: memref<1000x128xf32, #tpu.memory_space<vmem>>, %arg2: memref<1000x128xf32, #tpu.memory_space<vmem>>, %arg3: memref<1000x128xf32, #tpu.memory_space<vmem>>, %arg4: memref<128x128xf32, #tpu.memory_space<vmem>>, %arg5: memref<1000x128xf32, #tpu.memory_space<vmem>>) attributes {dimension_semantics = [#tpu.dimension_semantics<arbitrary>], iteration_bounds = array<i64: 10>, scalar_prefetch = 0 : i64, scratch_operands = 0 : i64, tpu.core_type = #tpu.core_type<tc>, window_params = [{transform_indices = @transform_0, window_bounds = array<i64: 1000, 128>}, {transform_indices = @transform_1, window_bounds = array<i64: 1000, 128>}, {transform_indices = @transform_2, window_bounds = array<i64: 1000, 128>}, {pipeline_mode = #tpu.pipeline_mode<synchronous>, transform_indices = @transform_3, window_bounds = array<i64: 128, 128>}, {transform_indices = @transform_4, window_bounds = array<i64: 1000, 128>}]} {
    %get3A = arith.constant 0 : index
    %get3A_0 = arith.constant 0 : index
    %get3A_1 = vector.load %arg1[%get3A, %get3A_0] : memref<1000x128xf32, #tpu.memory_space<vmem>>, vector<1000x128xf32>
    %get3A_2 = arith.constant 0 : index
    %get3A_3 = arith.constant 0 : index
    %get3A_4 = vector.load %arg2[%get3A_2, %get3A_3] : memref<1000x128xf32, #tpu.memory_space<vmem>>, vector<1000x128xf32>
    %slice3A = vector.extract_strided_slice %get3A_1 {offsets = [0, 0], sizes = [1000, 1], strides = [1, 1]} : vector<1000x128xf32> to vector<1000x1xf32>
    %slice3A_5 = vector.extract_strided_slice %get3A_4 {offsets = [0, 0], sizes = [1000, 1], strides = [1, 1]} : vector<1000x128xf32> to vector<1000x1xf32>
    %add3A = arith.addf %slice3A, %slice3A_5 : vector<1000x1xf32>
    %add3A_6 = arith.constant 1.000000e+00 : f32
    %add3A_7 = vector.broadcast %add3A_6 : f32 to vector<1000x1xf32>
    %add3A_8 = arith.addf %add3A, %add3A_7 : vector<1000x1xf32>
    %rsqrt3A = math.rsqrt %add3A_8 : vector<1000x1xf32>
    %get3A_9 = arith.constant 0 : index
    %get3A_10 = arith.constant 0 : index
    %get3A_11 = vector.load %arg3[%get3A_9, %get3A_10] : memref<1000x128xf32, #tpu.memory_space<vmem>>, vector<1000x128xf32>
    %get3A_12 = arith.constant 0 : index
    %get3A_13 = arith.constant 0 : index
    %get3A_14 = vector.load %arg4[%get3A_12, %get3A_13] : memref<128x128xf32, #tpu.memory_space<vmem>>, vector<128x128xf32>
    %dot_general3A = arith.constant dense<0.000000e+00> : vector<1000x128xf32>
    %dot_general3A_15 = tpu.matmul %get3A_11, %get3A_14, %dot_general3A {dimension_numbers = #tpu.dot_dimension_numbers<[1], [0], [0], [1], [0, 0, 1, 1], [], []>, transpose_lhs_hint = false} : vector<1000x128xf32>, vector<128x128xf32>, vector<1000x128xf32> -> vector<1000x128xf32>
    %mul3A = vector.broadcast %rsqrt3A : vector<1000x1xf32> to vector<1000x128xf32>
    %mul3A_16 = arith.mulf %mul3A, %dot_general3A_15 : vector<1000x128xf32>
    %swap3A = arith.constant 0 : index
    %swap3A_17 = arith.constant 0 : index
    %swap3A_18 = vector.load %arg5[%swap3A, %swap3A_17] : memref<1000x128xf32, #tpu.memory_space<vmem>>, vector<1000x128xf32>
    tpu.vector_store %arg5[%swap3A, %swap3A_17], %mul3A_16 {strides = array<i32>} : memref<1000x128xf32, #tpu.memory_space<vmem>>, vector<1000x128xf32>,
    return
  }
  func.func @transform_0(%arg0: i32) -> (i32, i32) {
    %c0_i32 = arith.constant 0 : i32
    %c0_i32_0 = arith.constant 0 : i32
    return %arg0, %c0_i32 : i32, i32
  }
  func.func @transform_1(%arg0: i32) -> (i32, i32) {
    %add3A = arith.constant 10 : i32
    %add3A_0 = arith.addi %arg0, %add3A : i32
    %c0_i32 = arith.constant 0 : i32
    %c0_i32_1 = arith.constant 0 : i32
    return %add3A_0, %c0_i32 : i32, i32
  }
  func.func @transform_2(%arg0: i32) -> (i32, i32) {
    %c0_i32 = arith.constant 0 : i32
    %c0_i32_0 = arith.constant 0 : i32
    return %arg0, %c0_i32 : i32, i32
  }
  func.func @transform_3(%arg0: i32) -> (i32, i32) {
    %c0_i32 = arith.constant 0 : i32
    %c0_i32_0 = arith.constant 0 : i32
    %c0_i32_1 = arith.constant 0 : i32
    return %c0_i32, %c0_i32_0 : i32, i32
  }
  func.func @transform_4(%arg0: i32) -> (i32, i32) {
    %c0_i32 = arith.constant 0 : i32
    %c0_i32_0 = arith.constant 0 : i32
    return %arg0, %c0_i32 : i32, i32
  }
}

module attributes {stable_mosaic.version = 14 : i64} {
  func.func @_tc_final(%arg0: i32, %arg1: memref<1000x128xf32, #tpu.memory_space<vmem>>, %arg2: memref<1000x128xf32, #tpu.memory_space<vmem>>, %arg3: memref<1000x128xf32, #tpu.memory_space<vmem>>, %arg4: memref<1000x128xf32, #tpu.memory_space<vmem>>, %arg5: memref<1000x128xf32, #tpu.memory_space<vmem>>, %arg6: memref<1x128xf32, #tpu.memory_space<vmem>>, %arg7: memref<1000x128xf32, #tpu.memory_space<vmem>>) attributes {dimension_semantics = [#tpu.dimension_semantics<arbitrary>], iteration_bounds = array<i64: 10>, scalar_prefetch = 0 : i64, scratch_operands = 0 : i64, tpu.core_type = #tpu.core_type<tc>, window_params = [{transform_indices = @transform_0, window_bounds = array<i64: 1000, 128>}, {transform_indices = @transform_1, window_bounds = array<i64: 1000, 128>}, {transform_indices = @transform_2, window_bounds = array<i64: 1000, 128>}, {transform_indices = @transform_3, window_bounds = array<i64: 1000, 128>}, {transform_indices = @transform_4, window_bounds = array<i64: 1000, 128>}, {pipeline_mode = #tpu.pipeline_mode<synchronous>, transform_indices = @transform_5, window_bounds = array<i64: 1, 128>}, {transform_indices = @transform_6, window_bounds = array<i64: 1000, 128>}]} {
    %get3A = arith.constant 0 : index
    %get3A_0 = arith.constant 0 : index
    %get3A_1 = vector.load %arg1[%get3A, %get3A_0] : memref<1000x128xf32, #tpu.memory_space<vmem>>, vector<1000x128xf32>
    %get3A_2 = arith.constant 0 : index
    %get3A_3 = arith.constant 0 : index
    %get3A_4 = vector.load %arg2[%get3A_2, %get3A_3] : memref<1000x128xf32, #tpu.memory_space<vmem>>, vector<1000x128xf32>
    %slice3A = vector.extract_strided_slice %get3A_1 {offsets = [0, 0], sizes = [1000, 1], strides = [1, 1]} : vector<1000x128xf32> to vector<1000x1xf32>
    %slice3A_5 = vector.extract_strided_slice %get3A_4 {offsets = [0, 0], sizes = [1000, 1], strides = [1, 1]} : vector<1000x128xf32> to vector<1000x1xf32>
    %add3A = arith.addf %slice3A, %slice3A_5 : vector<1000x1xf32>
    %add3A_6 = arith.constant 1.000000e+00 : f32
    %add3A_7 = vector.broadcast %add3A_6 : f32 to vector<1000x1xf32>
    %add3A_8 = arith.addf %add3A, %add3A_7 : vector<1000x1xf32>
    %rsqrt3A = math.rsqrt %add3A_8 : vector<1000x1xf32>
    %get3A_9 = arith.constant 0 : index
    %get3A_10 = arith.constant 0 : index
    %get3A_11 = vector.load %arg3[%get3A_9, %get3A_10] : memref<1000x128xf32, #tpu.memory_space<vmem>>, vector<1000x128xf32>
    %get3A_12 = arith.constant 0 : index
    %get3A_13 = arith.constant 0 : index
    %get3A_14 = vector.load %arg4[%get3A_12, %get3A_13] : memref<1000x128xf32, #tpu.memory_space<vmem>>, vector<1000x128xf32>
    %add3A_15 = arith.addf %get3A_11, %get3A_14 : vector<1000x128xf32>
    %get3A_16 = arith.constant 0 : index
    %get3A_17 = arith.constant 0 : index
    %get3A_18 = vector.load %arg5[%get3A_16, %get3A_17] : memref<1000x128xf32, #tpu.memory_space<vmem>>, vector<1000x128xf32>
    %add3A_19 = arith.addf %add3A_15, %get3A_18 : vector<1000x128xf32>
    %mul3A = vector.broadcast %rsqrt3A : vector<1000x1xf32> to vector<1000x128xf32>
    %mul3A_20 = arith.mulf %mul3A, %add3A_19 : vector<1000x128xf32>
    %get3A_21 = arith.constant 0 : index
    %get3A_22 = arith.constant 0 : index
    %get3A_23 = vector.load %arg6[%get3A_21, %get3A_22] : memref<1x128xf32, #tpu.memory_space<vmem>>, vector<1x128xf32>
    %add3A_24 = vector.broadcast %get3A_23 : vector<1x128xf32> to vector<1000x128xf32>
    %add3A_25 = arith.addf %mul3A_20, %add3A_24 : vector<1000x128xf32>
    %swap3A = arith.constant 0 : index
    %swap3A_26 = arith.constant 0 : index
    %swap3A_27 = vector.load %arg7[%swap3A, %swap3A_26] : memref<1000x128xf32, #tpu.memory_space<vmem>>, vector<1000x128xf32>
    tpu.vector_store %arg7[%swap3A, %swap3A_26], %add3A_25 {strides = array<i32>} : memref<1000x128xf32, #tpu.memory_space<vmem>>, vector<1000x128xf32>,
    return
  }
  func.func @transform_0(%arg0: i32) -> (i32, i32) {
    %c0_i32 = arith.constant 0 : i32
    %c0_i32_0 = arith.constant 0 : i32
    return %arg0, %c0_i32 : i32, i32
  }
  func.func @transform_1(%arg0: i32) -> (i32, i32) {
    %add3A = arith.constant 10 : i32
    %add3A_0 = arith.addi %arg0, %add3A : i32
    %c0_i32 = arith.constant 0 : i32
    %c0_i32_1 = arith.constant 0 : i32
    return %add3A_0, %c0_i32 : i32, i32
  }
  func.func @transform_2(%arg0: i32) -> (i32, i32) {
    %c0_i32 = arith.constant 0 : i32
    %c0_i32_0 = arith.constant 0 : i32
    return %arg0, %c0_i32 : i32, i32
  }
  func.func @transform_3(%arg0: i32) -> (i32, i32) {
    %add3A = arith.constant 10 : i32
    %add3A_0 = arith.addi %arg0, %add3A : i32
    %c0_i32 = arith.constant 0 : i32
    %c0_i32_1 = arith.constant 0 : i32
    return %add3A_0, %c0_i32 : i32, i32
  }
  func.func @transform_4(%arg0: i32) -> (i32, i32) {
    %c0_i32 = arith.constant 0 : i32
    %c0_i32_0 = arith.constant 0 : i32
    return %arg0, %c0_i32 : i32, i32
  }
  func.func @transform_5(%arg0: i32) -> (i32, i32) {
    %c0_i32 = arith.constant 0 : i32
    %c0_i32_0 = arith.constant 0 : i32
    %c0_i32_1 = arith.constant 0 : i32
    return %c0_i32, %c0_i32_0 : i32, i32
  }
  func.func @transform_6(%arg0: i32) -> (i32, i32) {
    %c0_i32 = arith.constant 0 : i32
    %c0_i32_0 = arith.constant 0 : i32
    return %arg0, %c0_i32 : i32, i32
  }
}

module attributes {stable_mosaic.version = 14 : i64} {
  func.func @_tc_mid(%arg0: i32, %arg1: memref<1000x128xf32, #tpu.memory_space<vmem>>, %arg2: memref<1000x128xf32, #tpu.memory_space<vmem>>, %arg3: memref<1000x128xf32, #tpu.memory_space<vmem>>, %arg4: memref<1000x128xf32, #tpu.memory_space<vmem>>, %arg5: memref<1000x128xf32, #tpu.memory_space<vmem>>, %arg6: memref<1x128xf32, #tpu.memory_space<vmem>>, %arg7: memref<128x128xf32, #tpu.memory_space<vmem>>, %arg8: memref<1000x128xf32, #tpu.memory_space<vmem>>) attributes {dimension_semantics = [#tpu.dimension_semantics<arbitrary>], iteration_bounds = array<i64: 10>, scalar_prefetch = 0 : i64, scratch_operands = 0 : i64, tpu.core_type = #tpu.core_type<tc>, window_params = [{transform_indices = @transform_0, window_bounds = array<i64: 1000, 128>}, {transform_indices = @transform_1, window_bounds = array<i64: 1000, 128>}, {transform_indices = @transform_2, window_bounds = array<i64: 1000, 128>}, {transform_indices = @transform_3, window_bounds = array<i64: 1000, 128>}, {transform_indices = @transform_4, window_bounds = array<i64: 1000, 128>}, {pipeline_mode = #tpu.pipeline_mode<synchronous>, transform_indices = @transform_5, window_bounds = array<i64: 1, 128>}, {pipeline_mode = #tpu.pipeline_mode<synchronous>, transform_indices = @transform_6, window_bounds = array<i64: 128, 128>}, {transform_indices = @transform_7, window_bounds = array<i64: 1000, 128>}]} {
    %get3A = arith.constant 0 : index
    %get3A_0 = arith.constant 0 : index
    %get3A_1 = vector.load %arg1[%get3A, %get3A_0] : memref<1000x128xf32, #tpu.memory_space<vmem>>, vector<1000x128xf32>
    %get3A_2 = arith.constant 0 : index
    %get3A_3 = arith.constant 0 : index
    %get3A_4 = vector.load %arg2[%get3A_2, %get3A_3] : memref<1000x128xf32, #tpu.memory_space<vmem>>, vector<1000x128xf32>
    %slice3A = vector.extract_strided_slice %get3A_1 {offsets = [0, 0], sizes = [1000, 1], strides = [1, 1]} : vector<1000x128xf32> to vector<1000x1xf32>
    %slice3A_5 = vector.extract_strided_slice %get3A_4 {offsets = [0, 0], sizes = [1000, 1], strides = [1, 1]} : vector<1000x128xf32> to vector<1000x1xf32>
    %add3A = arith.addf %slice3A, %slice3A_5 : vector<1000x1xf32>
    %add3A_6 = arith.constant 1.000000e+00 : f32
    %add3A_7 = vector.broadcast %add3A_6 : f32 to vector<1000x1xf32>
    %add3A_8 = arith.addf %add3A, %add3A_7 : vector<1000x1xf32>
    %rsqrt3A = math.rsqrt %add3A_8 : vector<1000x1xf32>
    %get3A_9 = arith.constant 0 : index
    %get3A_10 = arith.constant 0 : index
    %get3A_11 = vector.load %arg3[%get3A_9, %get3A_10] : memref<1000x128xf32, #tpu.memory_space<vmem>>, vector<1000x128xf32>
    %get3A_12 = arith.constant 0 : index
    %get3A_13 = arith.constant 0 : index
    %get3A_14 = vector.load %arg4[%get3A_12, %get3A_13] : memref<1000x128xf32, #tpu.memory_space<vmem>>, vector<1000x128xf32>
    %add3A_15 = arith.addf %get3A_11, %get3A_14 : vector<1000x128xf32>
    %get3A_16 = arith.constant 0 : index
    %get3A_17 = arith.constant 0 : index
    %get3A_18 = vector.load %arg5[%get3A_16, %get3A_17] : memref<1000x128xf32, #tpu.memory_space<vmem>>, vector<1000x128xf32>
    %add3A_19 = arith.addf %add3A_15, %get3A_18 : vector<1000x128xf32>
    %mul3A = vector.broadcast %rsqrt3A : vector<1000x1xf32> to vector<1000x128xf32>
    %mul3A_20 = arith.mulf %mul3A, %add3A_19 : vector<1000x128xf32>
    %get3A_21 = arith.constant 0 : index
    %get3A_22 = arith.constant 0 : index
    %get3A_23 = vector.load %arg6[%get3A_21, %get3A_22] : memref<1x128xf32, #tpu.memory_space<vmem>>, vector<1x128xf32>
    %add3A_24 = vector.broadcast %get3A_23 : vector<1x128xf32> to vector<1000x128xf32>
    %add3A_25 = arith.addf %mul3A_20, %add3A_24 : vector<1000x128xf32>
    %max3A = arith.constant 0.000000e+00 : f32
    %max3A_26 = vector.broadcast %max3A : f32 to vector<1000x128xf32>
    %max3A_27 = arith.maximumf %add3A_25, %max3A_26 : vector<1000x128xf32>
    %get3A_28 = arith.constant 0 : index
    %get3A_29 = arith.constant 0 : index
    %get3A_30 = vector.load %arg7[%get3A_28, %get3A_29] : memref<128x128xf32, #tpu.memory_space<vmem>>, vector<128x128xf32>
    %dot_general3A = arith.constant dense<0.000000e+00> : vector<1000x128xf32>
    %dot_general3A_31 = tpu.matmul %max3A_27, %get3A_30, %dot_general3A {dimension_numbers = #tpu.dot_dimension_numbers<[1], [0], [0], [1], [0, 0, 1, 1], [], []>, transpose_lhs_hint = false} : vector<1000x128xf32>, vector<128x128xf32>, vector<1000x128xf32> -> vector<1000x128xf32>
    %mul3A_32 = vector.broadcast %rsqrt3A : vector<1000x1xf32> to vector<1000x128xf32>
    %mul3A_33 = arith.mulf %mul3A_32, %dot_general3A_31 : vector<1000x128xf32>
    %swap3A = arith.constant 0 : index
    %swap3A_34 = arith.constant 0 : index
    %swap3A_35 = vector.load %arg8[%swap3A, %swap3A_34] : memref<1000x128xf32, #tpu.memory_space<vmem>>, vector<1000x128xf32>
    tpu.vector_store %arg8[%swap3A, %swap3A_34], %mul3A_33 {strides = array<i32>} : memref<1000x128xf32, #tpu.memory_space<vmem>>, vector<1000x128xf32>,
    return
  }
  func.func @transform_0(%arg0: i32) -> (i32, i32) {
    %c0_i32 = arith.constant 0 : i32
    %c0_i32_0 = arith.constant 0 : i32
    return %arg0, %c0_i32 : i32, i32
  }
  func.func @transform_1(%arg0: i32) -> (i32, i32) {
    %add3A = arith.constant 10 : i32
    %add3A_0 = arith.addi %arg0, %add3A : i32
    %c0_i32 = arith.constant 0 : i32
    %c0_i32_1 = arith.constant 0 : i32
    return %add3A_0, %c0_i32 : i32, i32
  }
  func.func @transform_2(%arg0: i32) -> (i32, i32) {
    %c0_i32 = arith.constant 0 : i32
    %c0_i32_0 = arith.constant 0 : i32
    return %arg0, %c0_i32 : i32, i32
  }
  func.func @transform_3(%arg0: i32) -> (i32, i32) {
    %add3A = arith.constant 10 : i32
    %add3A_0 = arith.addi %arg0, %add3A : i32
    %c0_i32 = arith.constant 0 : i32
    %c0_i32_1 = arith.constant 0 : i32
    return %add3A_0, %c0_i32 : i32, i32
  }
  func.func @transform_4(%arg0: i32) -> (i32, i32) {
    %c0_i32 = arith.constant 0 : i32
    %c0_i32_0 = arith.constant 0 : i32
    return %arg0, %c0_i32 : i32, i32
  }
  func.func @transform_5(%arg0: i32) -> (i32, i32) {
    %c0_i32 = arith.constant 0 : i32
    %c0_i32_0 = arith.constant 0 : i32
    %c0_i32_1 = arith.constant 0 : i32
    return %c0_i32, %c0_i32_0 : i32, i32
  }
  func.func @transform_6(%arg0: i32) -> (i32, i32) {
    %c0_i32 = arith.constant 0 : i32
    %c0_i32_0 = arith.constant 0 : i32
    %c0_i32_1 = arith.constant 0 : i32
    return %c0_i32, %c0_i32_0 : i32, i32
  }
  func.func @transform_7(%arg0: i32) -> (i32, i32) {
    %c0_i32 = arith.constant 0 : i32
    %c0_i32_0 = arith.constant 0 : i32
    return %arg0, %c0_i32 : i32, i32
  }
}

</mosaic_0001>

<sc_bundles>
// kernel: kernel.11.cloned.1.call-start
scs
__scs_entry_jumppad:
0x0: {  	(pc) =	sbr.rel $0x88, $3  }
0x1: {  	(tag) =	ssettag $0x0;
	lr =	simm.s32 $0x1  }
0x2: {  	[smem:$0x3F9B] =	sst lr;
	_ =	strace $0xD0000000  }
0x3: {  	_ = 	snop  }
0x4: {  	_ = 	snop  }
0x5: {  	_ = 	snop  }
0x6: {  	_ = 	snop  }
0x7: {  	_ = 	snop  }
__scs_overlays_trampoline_lowered:
0x8: {  	[smem:$0x3FAA] =	sst s0  }
0x9: {  	[smem:$0x3FAB] =	sst s1  }
0xa: {  	[smem:$0x3FAC] =	sst s2  }
0xb: {  	[smem:$0x3FAD] =	sst s3  }
0xc: {  	[smem:$0x3FAE] =	sst s4  }
0xd: {  	[smem:$0x3FAF] =	sst s5  }
0xe: {  	[smem:$0x3FB0] =	sst s6  }
0xf: {  	[smem:$0x3FB1] =	sst s7  }
0x10: {  	[smem:$0x3FB2] =	sst s8  }
0x11: {  	[smem:$0x3FB3] =	sst s9;
	s0 =	simm.s32 @!p0 $0x0  }
0x12: {  	s1 =	sld [smem:$0x3F99];
	s0 =	simm.s32 @p0 $0x1  }
0x13: {  	[smem:$0x3FB4] =	sst s0;
	s0 =	simm.s32 @!p1 $0x0  }
0x14: {  	s2 =	sld [smem:$0x3F98];
	s0 =	simm.s32 @p1 $0x1  }
0x15: {  	[smem:$0x3FB5] =	sst s0;
	s0 =	simm.s32 @!p2 $0x0  }
0x16: {  	s3 =	sld [smem:$0x3FDB];
	s0 =	simm.s32 @p2 $0x1  }
0x17: {  	s4 =	simm.s32 $0x1BF5;
	[smem:$0x3FB7] =	sst s0  }
0x18: {  	s0 =	sld [smem:$0x3F9A];
	_ =	swait.ge [sflag:s4], $0x0  }
0x19: {  	s7 =	sld [smem:$0x3F9B]  }
0x1a: {  	s8 =	sadd.s32 $0xFFFFE003, lr  }
0x1b: {  	s9 =	sadd.s32 $0xFFFFFEF7, lr;
	s5 =	simm.s32 $0xFFFFFFFF;
	p2 =	slt.u32 s8, $0xFFFFF086  }
0x1c: {  	p1 =	slt.u32 s9, $0xF7A;
	s5 =	simm.s32 @!p2 $0x0  }
0x1d: {  	s5 =	simm.s32 @p1 $0x1;
	p0 =	seq.s32 s7, s2  }
0x1e: {  	s7 =	smul.u32 @!p0 $0xF7A, s2;
	p2 =	seq.s32 @!p0 s5, $0x0  }
0x1f: {  	s9 =	smul.u32 $0xF7A, s1;
	s8 =	simm.s32 @!p0 $0x1BF5;
	p2 =	por !p2, p0  }
0x20: {  	[sflag:s8] =	ssyncset.s32 @!p0 $0xFFFFF086;
	s6 =	sadd.s32 @!p0 s3, s7;
	s7 =	simm.s32 @!p0 $0x108  }
0x21: {  	s3 =	sadd.s32 s3, s9;
	s6 =	sadd.s32 @!p0 $0x88, s6;
	s7 =	simm.s32 @p2 $0x1082  }
0x22: {  	[simem:s7], [sflag:s8] =	dma.local @!p0 [hbm:s6], $0xF7A  }
0x23: {  	s9 =	sor.u32 $0xD0000000, s2;
	s6 =	simm.s32 $0x108;
	_ =	swait.ge @!p0 [sflag:s8], $0x0  }
0x24: {  	s3 =	sadd.s32 $0x88, s3;
	s6 =	simm.s32 @!p1 $0x1082;
	[sflag:s4] =	ssyncset.s32 $0xFFFFF086  }
0x25: {  	[simem:s6], [sflag:s4] =	dma.local [hbm:s3], $0xF7A  }
0x26: {  	[smem:$0x3F9B] =	sst s1;
	(tag) =	ssettag s2;
	_ =	strace s9  }
0x27: {  	s1 =	sld [smem:$0x3FAB]  }
0x28: {  	s2 =	sld [smem:$0x3FAC]  }
0x29: {  	s4 =	sld [smem:$0x3FAE]  }
0x2a: {  	p0 =	seq.s32 s5, $0x0;
	s5 =	sld [smem:$0x3FAF]  }
0x2b: {  	s6 =	sld [smem:$0x3FB0]  }
0x2c: {  	s7 =	sld [smem:$0x3FB1]  }
0x2d: {  	s3 =	simm.s32 $0x108;
	s8 =	sld [smem:$0x3FB2]  }
0x2e: {  	s3 =	simm.s32 @!p0 $0x1082;
	s9 =	sld [smem:$0x3FB3]  }
0x2f: {  	lr =	sadd.s32 s0, s3;
	s0 =	sld [smem:$0x3FAA]  }
0x30: {  	s3 =	sld [smem:$0x3FAD]  }
0x31: {  	[smem:$0x3FB6] =	sst s10  }
0x32: {  	s10 =	sld [smem:$0x3FB4];
	_ =	sdelay $0x3  }
0x33: {  	p0 =	seq.s32 s10, $0x1;
	s10 =	sld [smem:$0x3FB6];
	_ =	sdelay $0x3  }
0x34: {  	[smem:$0x3FB6] =	sst s10  }
0x35: {  	s10 =	sld [smem:$0x3FB5];
	_ =	sdelay $0x3  }
0x36: {  	p1 =	seq.s32 s10, $0x1;
	s10 =	sld [smem:$0x3FB6];
	_ =	sdelay $0x3  }
0x37: {  	[smem:$0x3FB6] =	sst s10  }
0x38: {  	s10 =	sld [smem:$0x3FB7]  }
0x39: {  	_ = 	snop;
	(pc) =	sbr.ind lr, $3  }
0x3a: {  	_ = 	snop  }
0x3b: {  	_ = 	snop  }
0x3c: {  	p2 =	seq.s32 s10, $0x1;
	s10 =	sld [smem:$0x3FB6]  }
0x3d: {  	_ =	shalt  }
0x3e: {  	_ =	shalt  }
0x3f: {  	_ =	shalt  }
0x40: {  	_ =	shalt  }
0x41: {  	_ =	shalt  }
0x42: {  	_ =	shalt  }
0x43: {  	_ =	shalt  }
0x44: {  	_ =	shalt  }
0x45: {  	_ =	shalt  }
0x46: {  	_ =	shalt  }
0x47: {  	_ =	shalt  }
0x48: {  	_ =	shalt  }
0x49: {  	_ =	shalt  }
0x4a: {  	_ =	shalt  }
0x4b: {  	_ =	shalt  }
0x4c: {  	_ =	shalt  }
0x4d: {  	_ =	shalt  }
0x4e: {  	_ =	shalt  }
0x4f: {  	_ =	shalt  }
0x50: {  	_ =	shalt  }
0x51: {  	_ =	shalt  }
0x52: {  	_ =	shalt  }
0x53: {  	_ =	shalt  }
0x54: {  	_ =	shalt  }
0x55: {  	_ =	shalt  }
0x56: {  	_ =	shalt  }
0x57: {  	_ =	shalt  }
0x58: {  	_ =	shalt  }
0x59: {  	_ =	shalt  }
0x5a: {  	_ =	shalt  }
0x5b: {  	_ =	shalt  }
0x5c: {  	_ =	shalt  }
0x5d: {  	_ =	shalt  }
0x5e: {  	_ =	shalt  }
0x5f: {  	_ =	shalt  }
0x60: {  	_ =	shalt  }
0x61: {  	_ =	shalt  }
0x62: {  	_ =	shalt  }
0x63: {  	_ =	shalt  }
0x64: {  	_ =	shalt  }
0x65: {  	_ =	shalt  }
0x66: {  	_ =	shalt  }
0x67: {  	_ =	shalt  }
0x68: {  	_ =	shalt  }
0x69: {  	_ =	shalt  }
0x6a: {  	_ =	shalt  }
0x6b: {  	_ =	shalt  }
0x6c: {  	_ =	shalt  }
0x6d: {  	_ =	shalt  }
0x6e: {  	_ =	shalt  }
0x6f: {  	_ =	shalt  }
0x70: {  	_ =	shalt  }
0x71: {  	_ =	shalt  }
0x72: {  	_ =	shalt  }
0x73: {  	_ =	shalt  }
0x74: {  	_ =	shalt  }
0x75: {  	_ =	shalt  }
0x76: {  	_ =	shalt  }
0x77: {  	_ =	shalt  }
0x78: {  	_ =	shalt  }
0x79: {  	_ =	shalt  }
0x7a: {  	_ =	shalt  }
0x7b: {  	_ =	shalt  }
0x7c: {  	_ =	shalt  }
0x7d: {  	_ =	shalt  }
0x7e: {  	_ =	shalt  }
0x7f: {  	_ =	shalt  }
0x80: {  	_ =	shalt  }
0x81: {  	_ =	shalt  }
0x82: {  	_ =	shalt  }
0x83: {  	_ =	shalt  }
0x84: {  	_ =	shalt  }
0x85: {  	_ =	shalt  }
0x86: {  	_ =	shalt  }
0x87: {  	_ =	shalt  }
.Lfunc_end0:
.L_simem_size_0:
called_computation.1_lowered:
.L_overlay_start_0:
0x88: {  	s2 =	sld [smem:$0x3FD9]  }
0x89: {  	s3 =	sld [smem:$0x3FFE];
	_ =	sdelay $0x1  }
0x8a: {  	s1 =	srdreg.scid  }
0x8b: {  	s0 =	sand.u32 $0x1, s1  }
0x8c: {  	s17 =	sshll.u32 s0, $0xA;
	s2 =	sadd.s32 s3, s2  }
0x8d: {  	s2 =	sadd.s32 s2, s17  }
0x8e: {  	[smem:$0x3FC2] =	sst s2  }
0x8f: {  	_ = 	snop  }
0x90: {  	s2 =	sld [smem:$0x3FD0];
	(tm) =	ssettm $0x1  }
0x91: {  	s18 =	sld [smem:$0x3FFB];
	_ =	sdelay $0x3  }
0x92: {  	_ =	strace s18  }
0x93: {  	s3 =	sld [smem:$0x3FFC];
	_ =	sdelay $0x3  }
0x94: {  	_ =	strace s3  }
0x95: {  	s3 =	sld [smem:$0x3FFD];
	_ =	sdelay $0x3  }
0x96: {  	_ =	strace s3  }
0x97: {  	_ =	strace $0x8FFFFFFF  }
0x98: {  	s19 =	sld [smem:$0x3FDB];
	_ =	sdelay $0x1  }
0x99: {  	s4 =	simm.s32 $_scs_section_size  }
0x9a: {  	s5 =	simm.s32 $_size__tile_overlayer_lowered;
	s6 =	simm.s32 $_tile_overlayer_lowered  }
0x9b: {  	s22 =	simm.s32 $0x1BFF;
	s21 =	sshll.u32 s6, $0x1;
	s3 =	sadd.s32 s4, s19  }
0x9c: {  	s7 =	simm.s32 $0x0;
	s20 =	sshll.u32 s5, $0x1;
	s5 =	sadd.s32 s21, s3  }
0x9d: {  	[timem:s7], [sflag:s22] =	dma.local [hbm:s5], s20  }
0x9e: {  	_ =	swait.ge [sflag:s22], s20  }
0x9f: {  	s4 =	ssub.s32 $0x0, s20;
	[sflag:s22] =	ssyncset.done $0x0  }
0xa0: {  	[sflag:s22] =	ssyncadd.s32 s4;
	_ =	sdelay $0x1  }
0xa1: {  	s23 =	simm.s32 $0x1B8B  }
0xa2: {  	_ =	swait.ge [sflag:s23], $0x1  }
0xa3: {  	[sflag:s23] =	ssyncset.done $0x0  }
0xa4: {  	s25 =	simm.s32 $0x1B8E;
	s24 =	sld [smem:$0x3FFE];
	[sflag:s23] =	ssyncadd.s32 $0xFFFFFFFF  }
0xa5: {  	s26 =	simm.s32 $execute0_lowered;
	[smem:$0x3FD2] =	sst s25  }
0xa6: {  	s5 =	sshll.u32 s26, $0x1;
	_ =	strace $0x80000049;
	[dreg:$0x1] =	wrdreg $0xFFFFFFFF  }
0xa7: {  	s28 =	simm.s32 $_size_execute0_lowered;
	s3 =	sadd.s32 s3, s5;
	[dreg:$0x0] =	wrdreg $0x0  }
0xa8: {  	s5 =	sshll.u32 s28, $0x1;
	[dreg:$0x2] =	wrdreg s3  }
0xa9: {  	[dreg:$0x3] =	wrdreg s5  }
0xaa: {  	[dreg:$0x4] =	wrdreg $0xC0  }
0xab: {  	_ =	task [dreg:s7], $0x5FFFF  }
0xac: {  	[dreg:$0x1] =	wrdreg $0xFFFFFFFF  }
0xad: {  	[dreg:$0x0] =	wrdreg $0x60  }
0xae: {  	[dreg:$0x2] =	wrdreg s24  }
0xaf: {  	[dreg:$0x3] =	wrdreg s2  }
0xb0: {  	[dreg:$0x4] =	wrdreg $0xC4000  }
0xb1: {  	[dreg:$0x5] =	wrdreg $0x9  }
0xb2: {  	_ =	task.clear_ibuf [dreg:s7], $0x6FFFF;
	_ =	strace $0x90000049  }
0xb3: {  	s29 =	simm.s32 $0x9;
	_ =	strace $0x8000004B  }
0xb4: {  	_ =	swait.ge [sflag:s29], $0x1  }
0xb5: {  	[sflag:s29] =	ssyncadd.s32 $0xFFFFFFFF  }
0xb6: {  	_ =	strace $0x9000004B  }
0xb7: {  	_ =	sfence  }
0xb8: {  	s30 =	sld [smem:$0x0];
	_ =	sdelay $0x2  }
0xb9: {  	s31 =	sshll.u32 s1, $0xD;
	s1 =	sshrl.u32 s1, $0x2  }
0xba: {  	s3 =	sand.u32 $0x4000, s31;
	s1 =	sadd.s32 s1, s30  }
0xbb: {  	s0 =	sor.u32 s3, s0;
	s1 =	sshll.u32 s1, $0x11  }
0xbc: {  	s0 =	sor.u32 s1, s0  }
0xbd: {  	s0 =	sadd.s32 $0x8F2B, s0  }
0xbe: {  	[sflag:s0] =	ssyncadd.remote.s32 $0x1  }
0xbf: {  	_ =	sfence.sel $0xFFFF  }
0xc0: {  	[dreg:$0x0] =	wrdreg $0xFFFFFFFF;
	(pc) =	sbr.abs _section_cstart, $3  }
0xc1: {  	[dreg:$0x1] =	wrdreg $0xFFFFFFFF  }
0xc2: {  	_ =	task.clear_ibuf [dreg:s7], $0x2FFFF;
	_ =	strace $0x9FFFFFFF  }
0xc3: {  	(tm) =	ssettm $0x7FFFFFFF  }
tec
execute0_lowered:
.L_overlay_start_1:
0x0: {  	(tag) =	ssettag $0x1  }
0x1: {  	s6 =	rddreg [dreg:$0x0]  }
0x2: {  	s11 =	rddreg [dreg:$0x1]  }
0x3: {  	s0 =	srdreg.scid;
	s2 =	rddreg [dreg:$0x2];
	s4 =	simm.s32 $0x7  }
0x4: {  	s3 =	simm.s32 $0x0;
	s17 =	simm.s32 $0x8400;
	s18 =	simm.s32 $0x1  }
0x5: {  	s19 =	simm.s32 $0x3;
	s20 =	simm.s32 $0x2;
	s21 =	simm.s32 $0x4  }
0x6: {  	s22 =	simm.s32 $0x0;
	s5 =	sand.u32 $0x1, s0;
	s0 =	stileid.u32  }
0x7: {  	[smem:$0x7FF] =	sst s3;
	p0 =	seq.s32 s5, $0x0;
	s7 =	smul.u32 $0x27100, s5  }
0x8: {  	s12 =	sshll.u32 s5, $0xF;
	s9 =	smul.u32 $0x3E80, s0;
	_ =	strace $0x8000004A  }
0x9: {  	s29 =	ssub.s32 $0x2, s5;
	s10 =	smul.u32 $0x7D000, s0;
	s4 =	simm.s32 @!p0 $0x5  }
0xa: {  	s5 =	sadd.s32 $0xC000, s6;
	s30 =	sshrl.u32 s29, $0x1;
	s4 =	sshll.u32 s0, s4  }
0xb: {  	s7 =	sadd.s32 s9, s7;
	s15 =	ssub.s32 s29, s30;
	s31 =	sshrl.u32 s10, $0x2  }
0xc: {  	s13 =	sshll.u32 s4, $0x4;
	s4 =	sadd.s32 $0x10000, s6;
	s14 =	sadd.s32 s7, s6  }
0xd: {  	s7 =	simm.s32 $0x80;
	s16 =	sadd.s32 s31, s2;
	s8 =	sor.u32 s13, s12  }
0xe: {  	s10 =	sadd.s32 $0x68800, s14;
	s12 =	sadd.s32 s12, s11;
	s11 =	smax.u32 s15, $0x1  }
0xf: {  	s15 =	simm.s32 $0x5;
	s8 =	sadd.s32 s8, s6;
	s6 =	simm.s32 $0x80  }
0x10: {  	s12 =	sadd.s32 s13, s12;
	s6 =	simm.s32 @!p0 $0x20;
	p0 =	sgt.u32 s0, $0x9  }
0x11: {  	s8 =	sadd.s32 $0x5E200, s8;
	s9 =	sshrl.u32 s6, $0x1;
	s14 =	sshll.u32 @!p0 s0, $0x6  }
0x12: {  	s13 =	sor.u32 @!p0 $0x1C05, s14;
	s14 =	sshrl.u32 @!p0 s16, $0x3;
	s16 =	simm.s32 $0x4400  }
.LBB2_1:
0x13: {  	[spmem:s14], [sflag:s13] =	dma.local @!p0 [hbm:s5], $0x3E80  }
0x14: {  	s23 =	simm.s32 @!p0 $0x5  }
0x15: {  	_ =	swait.ge @!p0 [sflag:s23], $0x3E80  }
0x16: {  	[sflag:s23] =	ssyncset.done @!p0 $0x0  }
0x17: {  	[sflag:s23] =	ssyncadd.s32 @!p0 $0xFFFFC180  }
0x18: {  	[bflag:$0x0] =	sbarrier.arrive $0xFFFF  }
0x19: {  	[tilespmem:s3], [sflag:$0x5] =	stream.linear.gather [hbm4b:s8+s3], $0x4000, $0x38;
	[tilespmem:$0x1FC80] =	vst v63  }
0x1a: {  	_ =	swait.ge [sflag:s15], $0x4000  }
0x1b: {  	[sflag:s15] =	ssyncset.done $0x0  }
0x1c: {  	[sflag:s15] =	ssyncadd.s32 $0xFFFFC000  }
0x1d: {  	[tilespmem:s16], [sflag:$0x1] =	stream.indirect.gather [hbm4b:s4+s7], $0x80, s3, s7, $0xb8;
	[tilespmem:$0x1FC80] =	vst v63  }
0x1e: {  	s24 =	sand.u32 $0x6, s3  }
0x1f: {  	[tilespmem:s17], [sflag:$0x2] =	stream.indirect.gather [hbm4b:s4+s7], $0x80, s7, s7, $0xb8;
	[tilespmem:$0x1FC80] =	vst v63  }
0x20: {  	p1 =	sne.s32 s24, $0x0;
	_ =	swait.ge [sflag:s18], $0x4000  }
0x21: {  	s25 =	simm.s32 @!p1 $0x0;
	[sflag:s18] =	ssyncset.done $0x0  }
0x22: {  	s26 =	simm.s32 @!p1 $0x4000;
	s28 =	simm.s32 @!p1 $0x5;
	[sflag:s18] =	ssyncadd.s32 $0xFFFFC000  }
0x23: {  	[tilespmem:s26], [sflag:$0x5] =	stream.linear.gather @!p1 [hbm4b:s12+s25], $0x400, $0x38;
	[tilespmem:$0x1FC80] =	vst v63  }
0x24: {  	_ =	swait.ge @!p1 [sflag:s28], $0x400  }
0x25: {  	s24 =	sshll.u32 s24, $0x7;
	[sflag:s28] =	ssyncset.done @!p1 $0x0  }
0x26: {  	s24 =	sor.u32 $0x4000, s24;
	[sflag:s28] =	ssyncadd.s32 @!p1 $0xFFFFFC00  }
0x27: {  	[spmem:s2] =	stream.indirect.scatter.add.f32 [tilespmem:s16], [sflag:$0x3], $0x80, s24, s7, $0xb8;
	[tilespmem:$0x1FC80] =	vst v63  }
0x28: {  	p2 =	sle.u32 s6, $0x3;
	s25 =	simm.s32 $0x100;
	_ =	swait.ge [sflag:s19], $0x4000  }
0x29: {  	p1 =	sle.u32 s6, $0x2;
	s24 =	sadd.s32 $0xFFFFFFFF, s9;
	[sflag:s19] =	ssyncset.done $0x0  }
0x2a: {  	s26 =	simm.s32 @!p1 $0x80;
	s28 =	simm.s32 @!p1 $0x4400;
	[sflag:s19] =	ssyncadd.s32 $0xFFFFC000  }
0x2b: {  	[tilespmem:s28], [sflag:$0x1] =	stream.indirect.gather @!p1 [hbm4b:s4+s26], $0x80, s25, s26, $0xb8;
	[tilespmem:$0x1FC80] =	vst v63  }
0x2c: {  	s30 =	simm.s32 @!p2 $0x180;
	p1 =	sne.s32 s24, $0x0;
	_ =	swait.ge [sflag:s20], $0x4000  }
.Ltmp0:
0x2d: {  	s28 =	sand.u32 $0x300, s3;
	[sflag:s20] =	ssyncset.done $0x0;
	(pc) =	sbr.rel @!p1 .LBB2_3-.Ltmp0, $4  }
0x2e: {  	s31 =	simm.s32 @!p2 $0x8400;
	s29 =	sor.u32 $0x4080, s28;
	[sflag:s20] =	ssyncadd.s32 $0xFFFFC000  }
0x2f: {  	[spmem:s2] =	stream.indirect.scatter.add.f32 [tilespmem:s17], [sflag:$0x4], $0x80, s29, s7, $0xb8;
	[tilespmem:$0x1FC80] =	vst v63  }
0x30: {  	s25 =	simm.s32 $0x2;
	s26 =	simm.s32 $0x200;
	_ =	swait.ge [sflag:s21], $0x4000  }
0x31: {  	s28 =	sadd.s32 $0x20, s12;
	s29 =	simm.s32 $0x100;
	[sflag:s21] =	ssyncset.done $0x0  }
.LBB2_2:
0x32: {  	s0 =	sand.u32 $0x6, s25;
	[sflag:s21] =	ssyncadd.s32 $0xFFFFC000;
	s1 =	simm.s32 @!p2 $0x80  }
0x33: {  	[tilespmem:s31], [sflag:$0x2] =	stream.indirect.gather @!p2 [hbm4b:s4+s1], $0x80, s30, s1, $0xb8;
	[tilespmem:$0x1FC80] =	vst v63  }
0x34: {  	p2 =	sne.s32 s0, $0x0;
	s0 =	sshll.u32 s0, $0x7;
	_ =	swait.ge [sflag:s18], $0x4000  }
0x35: {  	s1 =	simm.s32 @!p2 $0x0;
	s30 =	simm.s32 @!p2 $0x4000;
	[sflag:s18] =	ssyncset.done $0x0  }
0x36: {  	s24 =	sadd.s32 $0xFFFFFFFF, s24;
	s31 =	simm.s32 @!p2 $0x5;
	[sflag:s18] =	ssyncadd.s32 $0xFFFFC000  }
0x37: {  	[tilespmem:s30], [sflag:$0x5] =	stream.linear.gather @!p2 [hbm4b:s28+s1], $0x400, $0x38;
	[tilespmem:$0x1FC80] =	vst v63  }
0x38: {  	p1 =	sne.s32 s24, $0x0;
	s1 =	smov.u32 s25;
	_ =	swait.ge @!p2 [sflag:s31], $0x400  }
0x39: {  	s0 =	sor.u32 $0x4000, s0;
	s30 =	smov.u32 s26;
	[sflag:s31] =	ssyncset.done @!p2 $0x0  }
0x3a: {  	s25 =	sadd.s32 $0x2, s25;
	[sflag:s31] =	ssyncadd.s32 @!p2 $0xFFFFFC00  }
0x3b: {  	[spmem:s2] =	stream.indirect.scatter.add.f32 [tilespmem:s16], [sflag:$0x3], $0x80, s0, s7, $0xb8;
	[tilespmem:$0x1FC80] =	vst v63  }
0x3c: {  	p2 =	sge.u32 s25, s6;
	_ =	swait.ge [sflag:s19], $0x4000  }
0x3d: {  	s0 =	simm.s32 @!p2 $0x80;
	s31 =	simm.s32 @!p2 $0x4400;
	[sflag:s19] =	ssyncset.done $0x0  }
0x3e: {  	[sflag:s19] =	ssyncadd.s32 $0xFFFFC000  }
0x3f: {  	[tilespmem:s31], [sflag:$0x1] =	stream.indirect.gather @!p2 [hbm4b:s4+s0], $0x80, s26, s0, $0xb8;
	[tilespmem:$0x1FC80] =	vst v63  }
0x40: {  	s0 =	sand.u32 $0x300, s29;
	s26 =	sadd.s32 $0x100, s26;
	_ =	swait.ge [sflag:s20], $0x4000  }
.Ltmp1:
0x41: {  	s0 =	sor.u32 $0x4080, s0;
	[sflag:s20] =	ssyncset.done $0x0;
	(pc) =	sbr.rel @p1 .LBB2_2-.Ltmp1, $4  }
0x42: {  	s28 =	sadd.s32 $0x20, s28;
	s1 =	sadd.s32 $0x3, s1;
	[sflag:s20] =	ssyncadd.s32 $0xFFFFC000  }
0x43: {  	[spmem:s2] =	stream.indirect.scatter.add.f32 [tilespmem:s17], [sflag:$0x4], $0x80, s0, s7, $0xb8;
	[tilespmem:$0x1FC80] =	vst v63  }
0x44: {  	p2 =	sge.u32 s1, s6;
	s29 =	sadd.s32 $0x100, s29;
	_ =	swait.ge [sflag:s21], $0x4000  }
0x45: {  	s30 =	sadd.s32 @!p2 $0x80, s30;
	s31 =	simm.s32 @!p2 $0x8400;
	[sflag:s21] =	ssyncset.done $0x0  }
.LBB2_3:
0x46: {  	[sflag:s21] =	ssyncadd.s32 $0xFFFFC000;
	s0 =	simm.s32 @!p2 $0x80;
	s22 =	sadd.s32 $0x1, s22  }
0x47: {  	[tilespmem:s31], [sflag:$0x2] =	stream.indirect.gather @!p2 [hbm4b:s4+s0], $0x80, s30, s0, $0xb8;
	[tilespmem:$0x1FC80] =	vst v63  }
0x48: {  	p1 =	sne.s32 s22, s11  }
.Ltmp2:
0x49: {  	[bflag:$0x0] =	sbarrier.arrive $0xFFFF;
	(pc) =	sbr.rel @p1 .LBB2_1-.Ltmp2, $4  }
0x4a: {  	[hbm:s10], [sflag:s13] =	dma.local @!p0 [spmem:s14], $0x3E80  }
0x4b: {  	_ =	swait.ge @!p0 [sflag:s23], $0x3E80  }
0x4c: {  	[sflag:s23] =	ssyncset.done @!p0 $0x0  }
0x4d: {  	[sflag:s23] =	ssyncadd.s32 @!p0 $0xFFFFC180  }
0x4e: {  	_ =	sfence.sel $0x180000  }
0x4f: {  	[bflag:$0x0] =	sbarrier.arrive $0xFFFF  }
0x50: {  	_ =	strace $0x9000004A  }
0x51: {  	s0 =	stileid.u32;
	[bflag:$0x2] =	sbarrier.arrive $0xFFFF  }
0x52: {  	p0 =	sne.s32 s0, $0x0;
	s0 =	rddreg [dreg:$0x3]  }
0x53: {  	s0 =	sadd.s32 @!p0 $0x100000, s0  }
0x54: {  	[sflag:s0] =	ssyncadd.tile.s32 @!p0 $0x1;
	_ =	shalt  }
.Lfunc_end2:
_tile_overlayer_lowered:
.L_overlay_start_2:
0x55: {  	(tag) =	ssettag $0x2  }
0x56: {  	s0 =	rddreg [dreg:$0x0];
	s2 =	stileid.u32  }
0x57: {  	s1 =	rddreg [dreg:$0x1];
	p0 =	sne.s32 s2, $0x0  }
0x58: {  	s3 =	rddreg [dreg:$0x2];
	[bflag:$0x3] =	sbarrier.arrive $0xFFFF;
	s2 =	simm.s32 @!p0 $0x1C05  }
0x59: {  	[timem:s3], [sflag:s2] =	dma.local @!p0 [hbm:s0], s1  }
0x5a: {  	s0 =	simm.s32 @!p0 $0x5  }
0x5b: {  	_ =	swait.ge @!p0 [sflag:s0], s1  }
0x5c: {  	s1 =	ssub.s32 @!p0 $0x0, s1;
	[sflag:s0] =	ssyncset.done @!p0 $0x0  }
0x5d: {  	[sflag:s0] =	ssyncadd.s32 @!p0 s1  }
0x5e: {  	[bflag:$0x3] =	sbarrier.arrive $0xFFFF  }
0x5f: {  	_ =	shalt  }

// kernel: kernel.14.cloned.1.call-start
scs
__scs_entry_jumppad:
0x0: {  	(pc) =	sbr.rel $0x88, $3  }
0x1: {  	(tag) =	ssettag $0x0;
	lr =	simm.s32 $0x1  }
0x2: {  	[smem:$0x3F9B] =	sst lr;
	_ =	strace $0xD0000000  }
0x3: {  	_ = 	snop  }
0x4: {  	_ = 	snop  }
0x5: {  	_ = 	snop  }
0x6: {  	_ = 	snop  }
0x7: {  	_ = 	snop  }
__scs_overlays_trampoline_lowered:
0x8: {  	[smem:$0x3FAA] =	sst s0  }
0x9: {  	[smem:$0x3FAB] =	sst s1  }
0xa: {  	[smem:$0x3FAC] =	sst s2  }
0xb: {  	[smem:$0x3FAD] =	sst s3  }
0xc: {  	[smem:$0x3FAE] =	sst s4  }
0xd: {  	[smem:$0x3FAF] =	sst s5  }
0xe: {  	[smem:$0x3FB0] =	sst s6  }
0xf: {  	[smem:$0x3FB1] =	sst s7  }
0x10: {  	[smem:$0x3FB2] =	sst s8  }
0x11: {  	[smem:$0x3FB3] =	sst s9;
	s0 =	simm.s32 @!p0 $0x0  }
0x12: {  	s1 =	sld [smem:$0x3F99];
	s0 =	simm.s32 @p0 $0x1  }
0x13: {  	[smem:$0x3FB4] =	sst s0;
	s0 =	simm.s32 @!p1 $0x0  }
0x14: {  	s2 =	sld [smem:$0x3F98];
	s0 =	simm.s32 @p1 $0x1  }
0x15: {  	[smem:$0x3FB5] =	sst s0;
	s0 =	simm.s32 @!p2 $0x0  }
0x16: {  	s3 =	sld [smem:$0x3FDB];
	s0 =	simm.s32 @p2 $0x1  }
0x17: {  	s4 =	simm.s32 $0x1BF5;
	[smem:$0x3FB7] =	sst s0  }
0x18: {  	s0 =	sld [smem:$0x3F9A];
	_ =	swait.ge [sflag:s4], $0x0  }
0x19: {  	s7 =	sld [smem:$0x3F9B]  }
0x1a: {  	s8 =	sadd.s32 $0xFFFFE003, lr  }
0x1b: {  	s9 =	sadd.s32 $0xFFFFFEF7, lr;
	s5 =	simm.s32 $0xFFFFFFFF;
	p2 =	slt.u32 s8, $0xFFFFF086  }
0x1c: {  	p1 =	slt.u32 s9, $0xF7A;
	s5 =	simm.s32 @!p2 $0x0  }
0x1d: {  	s5 =	simm.s32 @p1 $0x1;
	p0 =	seq.s32 s7, s2  }
0x1e: {  	s7 =	smul.u32 @!p0 $0xF7A, s2;
	p2 =	seq.s32 @!p0 s5, $0x0  }
0x1f: {  	s9 =	smul.u32 $0xF7A, s1;
	s8 =	simm.s32 @!p0 $0x1BF5;
	p2 =	por !p2, p0  }
0x20: {  	[sflag:s8] =	ssyncset.s32 @!p0 $0xFFFFF086;
	s6 =	sadd.s32 @!p0 s3, s7;
	s7 =	simm.s32 @!p0 $0x108  }
0x21: {  	s3 =	sadd.s32 s3, s9;
	s6 =	sadd.s32 @!p0 $0x88, s6;
	s7 =	simm.s32 @p2 $0x1082  }
0x22: {  	[simem:s7], [sflag:s8] =	dma.local @!p0 [hbm:s6], $0xF7A  }
0x23: {  	s9 =	sor.u32 $0xD0000000, s2;
	s6 =	simm.s32 $0x108;
	_ =	swait.ge @!p0 [sflag:s8], $0x0  }
0x24: {  	s3 =	sadd.s32 $0x88, s3;
	s6 =	simm.s32 @!p1 $0x1082;
	[sflag:s4] =	ssyncset.s32 $0xFFFFF086  }
0x25: {  	[simem:s6], [sflag:s4] =	dma.local [hbm:s3], $0xF7A  }
0x26: {  	[smem:$0x3F9B] =	sst s1;
	(tag) =	ssettag s2;
	_ =	strace s9  }
0x27: {  	s1 =	sld [smem:$0x3FAB]  }
0x28: {  	s2 =	sld [smem:$0x3FAC]  }
0x29: {  	s4 =	sld [smem:$0x3FAE]  }
0x2a: {  	p0 =	seq.s32 s5, $0x0;
	s5 =	sld [smem:$0x3FAF]  }
0x2b: {  	s6 =	sld [smem:$0x3FB0]  }
0x2c: {  	s7 =	sld [smem:$0x3FB1]  }
0x2d: {  	s3 =	simm.s32 $0x108;
	s8 =	sld [smem:$0x3FB2]  }
0x2e: {  	s3 =	simm.s32 @!p0 $0x1082;
	s9 =	sld [smem:$0x3FB3]  }
0x2f: {  	lr =	sadd.s32 s0, s3;
	s0 =	sld [smem:$0x3FAA]  }
0x30: {  	s3 =	sld [smem:$0x3FAD]  }
0x31: {  	[smem:$0x3FB6] =	sst s10  }
0x32: {  	s10 =	sld [smem:$0x3FB4];
	_ =	sdelay $0x3  }
0x33: {  	p0 =	seq.s32 s10, $0x1;
	s10 =	sld [smem:$0x3FB6];
	_ =	sdelay $0x3  }
0x34: {  	[smem:$0x3FB6] =	sst s10  }
0x35: {  	s10 =	sld [smem:$0x3FB5];
	_ =	sdelay $0x3  }
0x36: {  	p1 =	seq.s32 s10, $0x1;
	s10 =	sld [smem:$0x3FB6];
	_ =	sdelay $0x3  }
0x37: {  	[smem:$0x3FB6] =	sst s10  }
0x38: {  	s10 =	sld [smem:$0x3FB7]  }
0x39: {  	_ = 	snop;
	(pc) =	sbr.ind lr, $3  }
0x3a: {  	_ = 	snop  }
0x3b: {  	_ = 	snop  }
0x3c: {  	p2 =	seq.s32 s10, $0x1;
	s10 =	sld [smem:$0x3FB6]  }
0x3d: {  	_ =	shalt  }
0x3e: {  	_ =	shalt  }
0x3f: {  	_ =	shalt  }
0x40: {  	_ =	shalt  }
0x41: {  	_ =	shalt  }
0x42: {  	_ =	shalt  }
0x43: {  	_ =	shalt  }
0x44: {  	_ =	shalt  }
0x45: {  	_ =	shalt  }
0x46: {  	_ =	shalt  }
0x47: {  	_ =	shalt  }
0x48: {  	_ =	shalt  }
0x49: {  	_ =	shalt  }
0x4a: {  	_ =	shalt  }
0x4b: {  	_ =	shalt  }
0x4c: {  	_ =	shalt  }
0x4d: {  	_ =	shalt  }
0x4e: {  	_ =	shalt  }
0x4f: {  	_ =	shalt  }
0x50: {  	_ =	shalt  }
0x51: {  	_ =	shalt  }
0x52: {  	_ =	shalt  }
0x53: {  	_ =	shalt  }
0x54: {  	_ =	shalt  }
0x55: {  	_ =	shalt  }
0x56: {  	_ =	shalt  }
0x57: {  	_ =	shalt  }
0x58: {  	_ =	shalt  }
0x59: {  	_ =	shalt  }
0x5a: {  	_ =	shalt  }
0x5b: {  	_ =	shalt  }
0x5c: {  	_ =	shalt  }
0x5d: {  	_ =	shalt  }
0x5e: {  	_ =	shalt  }
0x5f: {  	_ =	shalt  }
0x60: {  	_ =	shalt  }
0x61: {  	_ =	shalt  }
0x62: {  	_ =	shalt  }
0x63: {  	_ =	shalt  }
0x64: {  	_ =	shalt  }
0x65: {  	_ =	shalt  }
0x66: {  	_ =	shalt  }
0x67: {  	_ =	shalt  }
0x68: {  	_ =	shalt  }
0x69: {  	_ =	shalt  }
0x6a: {  	_ =	shalt  }
0x6b: {  	_ =	shalt  }
0x6c: {  	_ =	shalt  }
0x6d: {  	_ =	shalt  }
0x6e: {  	_ =	shalt  }
0x6f: {  	_ =	shalt  }
0x70: {  	_ =	shalt  }
0x71: {  	_ =	shalt  }
0x72: {  	_ =	shalt  }
0x73: {  	_ =	shalt  }
0x74: {  	_ =	shalt  }
0x75: {  	_ =	shalt  }
0x76: {  	_ =	shalt  }
0x77: {  	_ =	shalt  }
0x78: {  	_ =	shalt  }
0x79: {  	_ =	shalt  }
0x7a: {  	_ =	shalt  }
0x7b: {  	_ =	shalt  }
0x7c: {  	_ =	shalt  }
0x7d: {  	_ =	shalt  }
0x7e: {  	_ =	shalt  }
0x7f: {  	_ =	shalt  }
0x80: {  	_ =	shalt  }
0x81: {  	_ =	shalt  }
0x82: {  	_ =	shalt  }
0x83: {  	_ =	shalt  }
0x84: {  	_ =	shalt  }
0x85: {  	_ =	shalt  }
0x86: {  	_ =	shalt  }
0x87: {  	_ =	shalt  }
.Lfunc_end0:
.L_simem_size_0:
called_computation.2_lowered:
.L_overlay_start_0:
0x88: {  	s2 =	sld [smem:$0x3FD9]  }
0x89: {  	s3 =	sld [smem:$0x3FFE];
	_ =	sdelay $0x1  }
0x8a: {  	s1 =	srdreg.scid  }
0x8b: {  	s0 =	sand.u32 $0x1, s1  }
0x8c: {  	s17 =	sshll.u32 s0, $0xA;
	s2 =	sadd.s32 s3, s2  }
0x8d: {  	s2 =	sadd.s32 s2, s17  }
0x8e: {  	[smem:$0x3FC2] =	sst s2  }
0x8f: {  	_ = 	snop  }
0x90: {  	s2 =	sld [smem:$0x3FD0];
	(tm) =	ssettm $0x1  }
0x91: {  	s18 =	sld [smem:$0x3FFB];
	_ =	sdelay $0x3  }
0x92: {  	_ =	strace s18  }
0x93: {  	s3 =	sld [smem:$0x3FFC];
	_ =	sdelay $0x3  }
0x94: {  	_ =	strace s3  }
0x95: {  	s3 =	sld [smem:$0x3FFD];
	_ =	sdelay $0x3  }
0x96: {  	_ =	strace s3  }
0x97: {  	_ =	strace $0x8FFFFFFF  }
0x98: {  	s19 =	sld [smem:$0x3FDB];
	_ =	sdelay $0x1  }
0x99: {  	s4 =	simm.s32 $_scs_section_size  }
0x9a: {  	s5 =	simm.s32 $_size__tile_overlayer_lowered;
	s6 =	simm.s32 $_tile_overlayer_lowered  }
0x9b: {  	s22 =	simm.s32 $0x1BFF;
	s21 =	sshll.u32 s6, $0x1;
	s3 =	sadd.s32 s4, s19  }
0x9c: {  	s7 =	simm.s32 $0x0;
	s20 =	sshll.u32 s5, $0x1;
	s5 =	sadd.s32 s21, s3  }
0x9d: {  	[timem:s7], [sflag:s22] =	dma.local [hbm:s5], s20  }
0x9e: {  	_ =	swait.ge [sflag:s22], s20  }
0x9f: {  	s4 =	ssub.s32 $0x0, s20;
	[sflag:s22] =	ssyncset.done $0x0  }
0xa0: {  	[sflag:s22] =	ssyncadd.s32 s4;
	_ =	sdelay $0x1  }
0xa1: {  	s23 =	simm.s32 $0x1B8B  }
0xa2: {  	_ =	swait.ge [sflag:s23], $0x1  }
0xa3: {  	[sflag:s23] =	ssyncset.done $0x0  }
0xa4: {  	s25 =	simm.s32 $0x1B8E;
	s24 =	sld [smem:$0x3FFE];
	[sflag:s23] =	ssyncadd.s32 $0xFFFFFFFF  }
0xa5: {  	s26 =	simm.s32 $execute0_lowered;
	[smem:$0x3FD2] =	sst s25  }
0xa6: {  	s5 =	sshll.u32 s26, $0x1;
	_ =	strace $0x8000004C;
	[dreg:$0x1] =	wrdreg $0xFFFFFFFF  }
0xa7: {  	s28 =	simm.s32 $_size_execute0_lowered;
	s3 =	sadd.s32 s3, s5;
	[dreg:$0x0] =	wrdreg $0x0  }
0xa8: {  	s5 =	sshll.u32 s28, $0x1;
	[dreg:$0x2] =	wrdreg s3  }
0xa9: {  	[dreg:$0x3] =	wrdreg s5  }
0xaa: {  	[dreg:$0x4] =	wrdreg $0xC0  }
0xab: {  	_ =	task [dreg:s7], $0x5FFFF  }
0xac: {  	[dreg:$0x1] =	wrdreg $0xFFFFFFFF  }
0xad: {  	[dreg:$0x0] =	wrdreg $0x60  }
0xae: {  	[dreg:$0x2] =	wrdreg s24  }
0xaf: {  	[dreg:$0x3] =	wrdreg s2  }
0xb0: {  	[dreg:$0x4] =	wrdreg $0xC4000  }
0xb1: {  	[dreg:$0x5] =	wrdreg $0x9  }
0xb2: {  	_ =	task.clear_ibuf [dreg:s7], $0x6FFFF;
	_ =	strace $0x9000004C  }
0xb3: {  	s29 =	simm.s32 $0x9;
	_ =	strace $0x8000004E  }
0xb4: {  	_ =	swait.ge [sflag:s29], $0x1  }
0xb5: {  	[sflag:s29] =	ssyncadd.s32 $0xFFFFFFFF  }
0xb6: {  	_ =	strace $0x9000004E  }
0xb7: {  	_ =	sfence  }
0xb8: {  	s30 =	sld [smem:$0x0];
	_ =	sdelay $0x2  }
0xb9: {  	s31 =	sshll.u32 s1, $0xD;
	s1 =	sshrl.u32 s1, $0x2  }
0xba: {  	s3 =	sand.u32 $0x4000, s31;
	s1 =	sadd.s32 s1, s30  }
0xbb: {  	s0 =	sor.u32 s3, s0;
	s1 =	sshll.u32 s1, $0x11  }
0xbc: {  	s0 =	sor.u32 s1, s0  }
0xbd: {  	s0 =	sadd.s32 $0x8F2B, s0  }
0xbe: {  	[sflag:s0] =	ssyncadd.remote.s32 $0x1  }
0xbf: {  	_ =	sfence.sel $0xFFFF  }
0xc0: {  	[dreg:$0x0] =	wrdreg $0xFFFFFFFF;
	(pc) =	sbr.abs _section_cstart, $3  }
0xc1: {  	[dreg:$0x1] =	wrdreg $0xFFFFFFFF  }
0xc2: {  	_ =	task.clear_ibuf [dreg:s7], $0x2FFFF;
	_ =	strace $0x9FFFFFFF  }
0xc3: {  	(tm) =	ssettm $0x7FFFFFFF  }
tec
execute0_lowered:
.L_overlay_start_1:
0x0: {  	(tag) =	ssettag $0x1  }
0x1: {  	s6 =	rddreg [dreg:$0x0]  }
0x2: {  	s11 =	rddreg [dreg:$0x1]  }
0x3: {  	s0 =	srdreg.scid;
	s2 =	rddreg [dreg:$0x2];
	s4 =	simm.s32 $0x7  }
0x4: {  	s3 =	simm.s32 $0x0;
	s17 =	simm.s32 $0x8400;
	s18 =	simm.s32 $0x1  }
0x5: {  	s19 =	simm.s32 $0x3;
	s20 =	simm.s32 $0x2;
	s21 =	simm.s32 $0x4  }
0x6: {  	s22 =	simm.s32 $0x0;
	s5 =	sand.u32 $0x1, s0;
	s0 =	stileid.u32  }
0x7: {  	[smem:$0x7FF] =	sst s3;
	p0 =	seq.s32 s5, $0x0;
	s7 =	smul.u32 $0x27100, s5  }
0x8: {  	s12 =	sshll.u32 s5, $0xF;
	s9 =	smul.u32 $0x3E80, s0;
	_ =	strace $0x8000004D  }
0x9: {  	s29 =	ssub.s32 $0x2, s5;
	s10 =	smul.u32 $0x7D000, s0;
	s4 =	simm.s32 @!p0 $0x5  }
0xa: {  	s5 =	sadd.s32 $0xC000, s6;
	s30 =	sshrl.u32 s29, $0x1;
	s4 =	sshll.u32 s0, s4  }
0xb: {  	s7 =	sadd.s32 s9, s7;
	s15 =	ssub.s32 s29, s30;
	s31 =	sshrl.u32 s10, $0x2  }
0xc: {  	s13 =	sshll.u32 s4, $0x4;
	s4 =	sadd.s32 $0x10000, s6;
	s14 =	sadd.s32 s7, s6  }
0xd: {  	s7 =	simm.s32 $0x80;
	s16 =	sadd.s32 s31, s2;
	s8 =	sor.u32 s13, s12  }
0xe: {  	s10 =	sadd.s32 $0x68800, s14;
	s12 =	sadd.s32 s12, s11;
	s11 =	smax.u32 s15, $0x1  }
0xf: {  	s15 =	simm.s32 $0x5;
	s8 =	sadd.s32 s8, s6;
	s6 =	simm.s32 $0x80  }
0x10: {  	s12 =	sadd.s32 s13, s12;
	s6 =	simm.s32 @!p0 $0x20;
	p0 =	sgt.u32 s0, $0x9  }
0x11: {  	s8 =	sadd.s32 $0x5E200, s8;
	s9 =	sshrl.u32 s6, $0x1;
	s14 =	sshll.u32 @!p0 s0, $0x6  }
0x12: {  	s13 =	sor.u32 @!p0 $0x1C05, s14;
	s14 =	sshrl.u32 @!p0 s16, $0x3;
	s16 =	simm.s32 $0x4400  }
.LBB2_1:
0x13: {  	[spmem:s14], [sflag:s13] =	dma.local @!p0 [hbm:s5], $0x3E80  }
0x14: {  	s23 =	simm.s32 @!p0 $0x5  }
0x15: {  	_ =	swait.ge @!p0 [sflag:s23], $0x3E80  }
0x16: {  	[sflag:s23] =	ssyncset.done @!p0 $0x0  }
0x17: {  	[sflag:s23] =	ssyncadd.s32 @!p0 $0xFFFFC180  }
0x18: {  	[bflag:$0x0] =	sbarrier.arrive $0xFFFF  }
0x19: {  	[tilespmem:s3], [sflag:$0x5] =	stream.linear.gather [hbm4b:s8+s3], $0x4000, $0x38;
	[tilespmem:$0x1FC80] =	vst v63  }
0x1a: {  	_ =	swait.ge [sflag:s15], $0x4000  }
0x1b: {  	[sflag:s15] =	ssyncset.done $0x0  }
0x1c: {  	[sflag:s15] =	ssyncadd.s32 $0xFFFFC000  }
0x1d: {  	[tilespmem:s16], [sflag:$0x1] =	stream.indirect.gather [hbm4b:s4+s7], $0x80, s3, s7, $0xb8;
	[tilespmem:$0x1FC80] =	vst v63  }
0x1e: {  	s24 =	sand.u32 $0x6, s3  }
0x1f: {  	[tilespmem:s17], [sflag:$0x2] =	stream.indirect.gather [hbm4b:s4+s7], $0x80, s7, s7, $0xb8;
	[tilespmem:$0x1FC80] =	vst v63  }
0x20: {  	p1 =	sne.s32 s24, $0x0;
	_ =	swait.ge [sflag:s18], $0x4000  }
0x21: {  	s25 =	simm.s32 @!p1 $0x0;
	[sflag:s18] =	ssyncset.done $0x0  }
0x22: {  	s26 =	simm.s32 @!p1 $0x4000;
	s28 =	simm.s32 @!p1 $0x5;
	[sflag:s18] =	ssyncadd.s32 $0xFFFFC000  }
0x23: {  	[tilespmem:s26], [sflag:$0x5] =	stream.linear.gather @!p1 [hbm4b:s12+s25], $0x400, $0x38;
	[tilespmem:$0x1FC80] =	vst v63  }
0x24: {  	_ =	swait.ge @!p1 [sflag:s28], $0x400  }
0x25: {  	s24 =	sshll.u32 s24, $0x7;
	[sflag:s28] =	ssyncset.done @!p1 $0x0  }
0x26: {  	s24 =	sor.u32 $0x4000, s24;
	[sflag:s28] =	ssyncadd.s32 @!p1 $0xFFFFFC00  }
0x27: {  	[spmem:s2] =	stream.indirect.scatter.add.f32 [tilespmem:s16], [sflag:$0x3], $0x80, s24, s7, $0xb8;
	[tilespmem:$0x1FC80] =	vst v63  }
0x28: {  	p2 =	sle.u32 s6, $0x3;
	s25 =	simm.s32 $0x100;
	_ =	swait.ge [sflag:s19], $0x4000  }
0x29: {  	p1 =	sle.u32 s6, $0x2;
	s24 =	sadd.s32 $0xFFFFFFFF, s9;
	[sflag:s19] =	ssyncset.done $0x0  }
0x2a: {  	s26 =	simm.s32 @!p1 $0x80;
	s28 =	simm.s32 @!p1 $0x4400;
	[sflag:s19] =	ssyncadd.s32 $0xFFFFC000  }
0x2b: {  	[tilespmem:s28], [sflag:$0x1] =	stream.indirect.gather @!p1 [hbm4b:s4+s26], $0x80, s25, s26, $0xb8;
	[tilespmem:$0x1FC80] =	vst v63  }
0x2c: {  	s30 =	simm.s32 @!p2 $0x180;
	p1 =	sne.s32 s24, $0x0;
	_ =	swait.ge [sflag:s20], $0x4000  }
.Ltmp0:
0x2d: {  	s28 =	sand.u32 $0x300, s3;
	[sflag:s20] =	ssyncset.done $0x0;
	(pc) =	sbr.rel @!p1 .LBB2_3-.Ltmp0, $4  }
0x2e: {  	s31 =	simm.s32 @!p2 $0x8400;
	s29 =	sor.u32 $0x4080, s28;
	[sflag:s20] =	ssyncadd.s32 $0xFFFFC000  }
0x2f: {  	[spmem:s2] =	stream.indirect.scatter.add.f32 [tilespmem:s17], [sflag:$0x4], $0x80, s29, s7, $0xb8;
	[tilespmem:$0x1FC80] =	vst v63  }
0x30: {  	s25 =	simm.s32 $0x2;
	s26 =	simm.s32 $0x200;
	_ =	swait.ge [sflag:s21], $0x4000  }
0x31: {  	s28 =	sadd.s32 $0x20, s12;
	s29 =	simm.s32 $0x100;
	[sflag:s21] =	ssyncset.done $0x0  }
.LBB2_2:
0x32: {  	s0 =	sand.u32 $0x6, s25;
	[sflag:s21] =	ssyncadd.s32 $0xFFFFC000;
	s1 =	simm.s32 @!p2 $0x80  }
0x33: {  	[tilespmem:s31], [sflag:$0x2] =	stream.indirect.gather @!p2 [hbm4b:s4+s1], $0x80, s30, s1, $0xb8;
	[tilespmem:$0x1FC80] =	vst v63  }
0x34: {  	p2 =	sne.s32 s0, $0x0;
	s0 =	sshll.u32 s0, $0x7;
	_ =	swait.ge [sflag:s18], $0x4000  }
0x35: {  	s1 =	simm.s32 @!p2 $0x0;
	s30 =	simm.s32 @!p2 $0x4000;
	[sflag:s18] =	ssyncset.done $0x0  }
0x36: {  	s24 =	sadd.s32 $0xFFFFFFFF, s24;
	s31 =	simm.s32 @!p2 $0x5;
	[sflag:s18] =	ssyncadd.s32 $0xFFFFC000  }
0x37: {  	[tilespmem:s30], [sflag:$0x5] =	stream.linear.gather @!p2 [hbm4b:s28+s1], $0x400, $0x38;
	[tilespmem:$0x1FC80] =	vst v63  }
0x38: {  	p1 =	sne.s32 s24, $0x0;
	s1 =	smov.u32 s25;
	_ =	swait.ge @!p2 [sflag:s31], $0x400  }
0x39: {  	s0 =	sor.u32 $0x4000, s0;
	s30 =	smov.u32 s26;
	[sflag:s31] =	ssyncset.done @!p2 $0x0  }
0x3a: {  	s25 =	sadd.s32 $0x2, s25;
	[sflag:s31] =	ssyncadd.s32 @!p2 $0xFFFFFC00  }
0x3b: {  	[spmem:s2] =	stream.indirect.scatter.add.f32 [tilespmem:s16], [sflag:$0x3], $0x80, s0, s7, $0xb8;
	[tilespmem:$0x1FC80] =	vst v63  }
0x3c: {  	p2 =	sge.u32 s25, s6;
	_ =	swait.ge [sflag:s19], $0x4000  }
0x3d: {  	s0 =	simm.s32 @!p2 $0x80;
	s31 =	simm.s32 @!p2 $0x4400;
	[sflag:s19] =	ssyncset.done $0x0  }
0x3e: {  	[sflag:s19] =	ssyncadd.s32 $0xFFFFC000  }
0x3f: {  	[tilespmem:s31], [sflag:$0x1] =	stream.indirect.gather @!p2 [hbm4b:s4+s0], $0x80, s26, s0, $0xb8;
	[tilespmem:$0x1FC80] =	vst v63  }
0x40: {  	s0 =	sand.u32 $0x300, s29;
	s26 =	sadd.s32 $0x100, s26;
	_ =	swait.ge [sflag:s20], $0x4000  }
.Ltmp1:
0x41: {  	s0 =	sor.u32 $0x4080, s0;
	[sflag:s20] =	ssyncset.done $0x0;
	(pc) =	sbr.rel @p1 .LBB2_2-.Ltmp1, $4  }
0x42: {  	s28 =	sadd.s32 $0x20, s28;
	s1 =	sadd.s32 $0x3, s1;
	[sflag:s20] =	ssyncadd.s32 $0xFFFFC000  }
0x43: {  	[spmem:s2] =	stream.indirect.scatter.add.f32 [tilespmem:s17], [sflag:$0x4], $0x80, s0, s7, $0xb8;
	[tilespmem:$0x1FC80] =	vst v63  }
0x44: {  	p2 =	sge.u32 s1, s6;
	s29 =	sadd.s32 $0x100, s29;
	_ =	swait.ge [sflag:s21], $0x4000  }
0x45: {  	s30 =	sadd.s32 @!p2 $0x80, s30;
	s31 =	simm.s32 @!p2 $0x8400;
	[sflag:s21] =	ssyncset.done $0x0  }
.LBB2_3:
0x46: {  	[sflag:s21] =	ssyncadd.s32 $0xFFFFC000;
	s0 =	simm.s32 @!p2 $0x80;
	s22 =	sadd.s32 $0x1, s22  }
0x47: {  	[tilespmem:s31], [sflag:$0x2] =	stream.indirect.gather @!p2 [hbm4b:s4+s0], $0x80, s30, s0, $0xb8;
	[tilespmem:$0x1FC80] =	vst v63  }
0x48: {  	p1 =	sne.s32 s22, s11  }
.Ltmp2:
0x49: {  	[bflag:$0x0] =	sbarrier.arrive $0xFFFF;
	(pc) =	sbr.rel @p1 .LBB2_1-.Ltmp2, $4  }
0x4a: {  	[hbm:s10], [sflag:s13] =	dma.local @!p0 [spmem:s14], $0x3E80  }
0x4b: {  	_ =	swait.ge @!p0 [sflag:s23], $0x3E80  }
0x4c: {  	[sflag:s23] =	ssyncset.done @!p0 $0x0  }
0x4d: {  	[sflag:s23] =	ssyncadd.s32 @!p0 $0xFFFFC180  }
0x4e: {  	_ =	sfence.sel $0x180000  }
0x4f: {  	[bflag:$0x0] =	sbarrier.arrive $0xFFFF  }
0x50: {  	_ =	strace $0x9000004D  }
0x51: {  	s0 =	stileid.u32;
	[bflag:$0x2] =	sbarrier.arrive $0xFFFF  }
0x52: {  	p0 =	sne.s32 s0, $0x0;
	s0 =	rddreg [dreg:$0x3]  }
0x53: {  	s0 =	sadd.s32 @!p0 $0x100000, s0  }
0x54: {  	[sflag:s0] =	ssyncadd.tile.s32 @!p0 $0x1;
	_ =	shalt  }
.Lfunc_end2:
_tile_overlayer_lowered:
.L_overlay_start_2:
0x55: {  	(tag) =	ssettag $0x2  }
0x56: {  	s0 =	rddreg [dreg:$0x0];
	s2 =	stileid.u32  }
0x57: {  	s1 =	rddreg [dreg:$0x1];
	p0 =	sne.s32 s2, $0x0  }
0x58: {  	s3 =	rddreg [dreg:$0x2];
	[bflag:$0x3] =	sbarrier.arrive $0xFFFF;
	s2 =	simm.s32 @!p0 $0x1C05  }
0x59: {  	[timem:s3], [sflag:s2] =	dma.local @!p0 [hbm:s0], s1  }
0x5a: {  	s0 =	simm.s32 @!p0 $0x5  }
0x5b: {  	_ =	swait.ge @!p0 [sflag:s0], s1  }
0x5c: {  	s1 =	ssub.s32 @!p0 $0x0, s1;
	[sflag:s0] =	ssyncset.done @!p0 $0x0  }
0x5d: {  	[sflag:s0] =	ssyncadd.s32 @!p0 s1  }
0x5e: {  	[bflag:$0x3] =	sbarrier.arrive $0xFFFF  }
0x5f: {  	_ =	shalt  }

// kernel: kernel.8.cloned.1.call-start
scs
__scs_entry_jumppad:
0x0: {  	(pc) =	sbr.rel $0x88, $3  }
0x1: {  	(tag) =	ssettag $0x0;
	lr =	simm.s32 $0x1  }
0x2: {  	[smem:$0x3F9B] =	sst lr;
	_ =	strace $0xD0000000  }
0x3: {  	_ = 	snop  }
0x4: {  	_ = 	snop  }
0x5: {  	_ = 	snop  }
0x6: {  	_ = 	snop  }
0x7: {  	_ = 	snop  }
__scs_overlays_trampoline_lowered:
0x8: {  	[smem:$0x3FAA] =	sst s0  }
0x9: {  	[smem:$0x3FAB] =	sst s1  }
0xa: {  	[smem:$0x3FAC] =	sst s2  }
0xb: {  	[smem:$0x3FAD] =	sst s3  }
0xc: {  	[smem:$0x3FAE] =	sst s4  }
0xd: {  	[smem:$0x3FAF] =	sst s5  }
0xe: {  	[smem:$0x3FB0] =	sst s6  }
0xf: {  	[smem:$0x3FB1] =	sst s7  }
0x10: {  	[smem:$0x3FB2] =	sst s8  }
0x11: {  	[smem:$0x3FB3] =	sst s9;
	s0 =	simm.s32 @!p0 $0x0  }
0x12: {  	s1 =	sld [smem:$0x3F99];
	s0 =	simm.s32 @p0 $0x1  }
0x13: {  	[smem:$0x3FB4] =	sst s0;
	s0 =	simm.s32 @!p1 $0x0  }
0x14: {  	s2 =	sld [smem:$0x3F98];
	s0 =	simm.s32 @p1 $0x1  }
0x15: {  	[smem:$0x3FB5] =	sst s0;
	s0 =	simm.s32 @!p2 $0x0  }
0x16: {  	s3 =	sld [smem:$0x3FDB];
	s0 =	simm.s32 @p2 $0x1  }
0x17: {  	s4 =	simm.s32 $0x1BF5;
	[smem:$0x3FB7] =	sst s0  }
0x18: {  	s0 =	sld [smem:$0x3F9A];
	_ =	swait.ge [sflag:s4], $0x0  }
0x19: {  	s7 =	sld [smem:$0x3F9B]  }
0x1a: {  	s8 =	sadd.s32 $0xFFFFE003, lr  }
0x1b: {  	s9 =	sadd.s32 $0xFFFFFEF7, lr;
	s5 =	simm.s32 $0xFFFFFFFF;
	p2 =	slt.u32 s8, $0xFFFFF086  }
0x1c: {  	p1 =	slt.u32 s9, $0xF7A;
	s5 =	simm.s32 @!p2 $0x0  }
0x1d: {  	s5 =	simm.s32 @p1 $0x1;
	p0 =	seq.s32 s7, s2  }
0x1e: {  	s7 =	smul.u32 @!p0 $0xF7A, s2;
	p2 =	seq.s32 @!p0 s5, $0x0  }
0x1f: {  	s9 =	smul.u32 $0xF7A, s1;
	s8 =	simm.s32 @!p0 $0x1BF5;
	p2 =	por !p2, p0  }
0x20: {  	[sflag:s8] =	ssyncset.s32 @!p0 $0xFFFFF086;
	s6 =	sadd.s32 @!p0 s3, s7;
	s7 =	simm.s32 @!p0 $0x108  }
0x21: {  	s3 =	sadd.s32 s3, s9;
	s6 =	sadd.s32 @!p0 $0x88, s6;
	s7 =	simm.s32 @p2 $0x1082  }
0x22: {  	[simem:s7], [sflag:s8] =	dma.local @!p0 [hbm:s6], $0xF7A  }
0x23: {  	s9 =	sor.u32 $0xD0000000, s2;
	s6 =	simm.s32 $0x108;
	_ =	swait.ge @!p0 [sflag:s8], $0x0  }
0x24: {  	s3 =	sadd.s32 $0x88, s3;
	s6 =	simm.s32 @!p1 $0x1082;
	[sflag:s4] =	ssyncset.s32 $0xFFFFF086  }
0x25: {  	[simem:s6], [sflag:s4] =	dma.local [hbm:s3], $0xF7A  }
0x26: {  	[smem:$0x3F9B] =	sst s1;
	(tag) =	ssettag s2;
	_ =	strace s9  }
0x27: {  	s1 =	sld [smem:$0x3FAB]  }
0x28: {  	s2 =	sld [smem:$0x3FAC]  }
0x29: {  	s4 =	sld [smem:$0x3FAE]  }
0x2a: {  	p0 =	seq.s32 s5, $0x0;
	s5 =	sld [smem:$0x3FAF]  }
0x2b: {  	s6 =	sld [smem:$0x3FB0]  }
0x2c: {  	s7 =	sld [smem:$0x3FB1]  }
0x2d: {  	s3 =	simm.s32 $0x108;
	s8 =	sld [smem:$0x3FB2]  }
0x2e: {  	s3 =	simm.s32 @!p0 $0x1082;
	s9 =	sld [smem:$0x3FB3]  }
0x2f: {  	lr =	sadd.s32 s0, s3;
	s0 =	sld [smem:$0x3FAA]  }
0x30: {  	s3 =	sld [smem:$0x3FAD]  }
0x31: {  	[smem:$0x3FB6] =	sst s10  }
0x32: {  	s10 =	sld [smem:$0x3FB4];
	_ =	sdelay $0x3  }
0x33: {  	p0 =	seq.s32 s10, $0x1;
	s10 =	sld [smem:$0x3FB6];
	_ =	sdelay $0x3  }
0x34: {  	[smem:$0x3FB6] =	sst s10  }
0x35: {  	s10 =	sld [smem:$0x3FB5];
	_ =	sdelay $0x3  }
0x36: {  	p1 =	seq.s32 s10, $0x1;
	s10 =	sld [smem:$0x3FB6];
	_ =	sdelay $0x3  }
0x37: {  	[smem:$0x3FB6] =	sst s10  }
0x38: {  	s10 =	sld [smem:$0x3FB7]  }
0x39: {  	_ = 	snop;
	(pc) =	sbr.ind lr, $3  }
0x3a: {  	_ = 	snop  }
0x3b: {  	_ = 	snop  }
0x3c: {  	p2 =	seq.s32 s10, $0x1;
	s10 =	sld [smem:$0x3FB6]  }
0x3d: {  	_ =	shalt  }
0x3e: {  	_ =	shalt  }
0x3f: {  	_ =	shalt  }
0x40: {  	_ =	shalt  }
0x41: {  	_ =	shalt  }
0x42: {  	_ =	shalt  }
0x43: {  	_ =	shalt  }
0x44: {  	_ =	shalt  }
0x45: {  	_ =	shalt  }
0x46: {  	_ =	shalt  }
0x47: {  	_ =	shalt  }
0x48: {  	_ =	shalt  }
0x49: {  	_ =	shalt  }
0x4a: {  	_ =	shalt  }
0x4b: {  	_ =	shalt  }
0x4c: {  	_ =	shalt  }
0x4d: {  	_ =	shalt  }
0x4e: {  	_ =	shalt  }
0x4f: {  	_ =	shalt  }
0x50: {  	_ =	shalt  }
0x51: {  	_ =	shalt  }
0x52: {  	_ =	shalt  }
0x53: {  	_ =	shalt  }
0x54: {  	_ =	shalt  }
0x55: {  	_ =	shalt  }
0x56: {  	_ =	shalt  }
0x57: {  	_ =	shalt  }
0x58: {  	_ =	shalt  }
0x59: {  	_ =	shalt  }
0x5a: {  	_ =	shalt  }
0x5b: {  	_ =	shalt  }
0x5c: {  	_ =	shalt  }
0x5d: {  	_ =	shalt  }
0x5e: {  	_ =	shalt  }
0x5f: {  	_ =	shalt  }
0x60: {  	_ =	shalt  }
0x61: {  	_ =	shalt  }
0x62: {  	_ =	shalt  }
0x63: {  	_ =	shalt  }
0x64: {  	_ =	shalt  }
0x65: {  	_ =	shalt  }
0x66: {  	_ =	shalt  }
0x67: {  	_ =	shalt  }
0x68: {  	_ =	shalt  }
0x69: {  	_ =	shalt  }
0x6a: {  	_ =	shalt  }
0x6b: {  	_ =	shalt  }
0x6c: {  	_ =	shalt  }
0x6d: {  	_ =	shalt  }
0x6e: {  	_ =	shalt  }
0x6f: {  	_ =	shalt  }
0x70: {  	_ =	shalt  }
0x71: {  	_ =	shalt  }
0x72: {  	_ =	shalt  }
0x73: {  	_ =	shalt  }
0x74: {  	_ =	shalt  }
0x75: {  	_ =	shalt  }
0x76: {  	_ =	shalt  }
0x77: {  	_ =	shalt  }
0x78: {  	_ =	shalt  }
0x79: {  	_ =	shalt  }
0x7a: {  	_ =	shalt  }
0x7b: {  	_ =	shalt  }
0x7c: {  	_ =	shalt  }
0x7d: {  	_ =	shalt  }
0x7e: {  	_ =	shalt  }
0x7f: {  	_ =	shalt  }
0x80: {  	_ =	shalt  }
0x81: {  	_ =	shalt  }
0x82: {  	_ =	shalt  }
0x83: {  	_ =	shalt  }
0x84: {  	_ =	shalt  }
0x85: {  	_ =	shalt  }
0x86: {  	_ =	shalt  }
0x87: {  	_ =	shalt  }
.Lfunc_end0:
.L_simem_size_0:
called_computation_lowered:
.L_overlay_start_0:
0x88: {  	s2 =	sld [smem:$0x3FD9]  }
0x89: {  	s3 =	sld [smem:$0x3FFE];
	_ =	sdelay $0x1  }
0x8a: {  	s1 =	srdreg.scid  }
0x8b: {  	s0 =	sand.u32 $0x1, s1  }
0x8c: {  	s16 =	sshll.u32 s0, $0xA;
	s2 =	sadd.s32 s3, s2  }
0x8d: {  	s2 =	sadd.s32 s2, s16  }
0x8e: {  	[smem:$0x3FC2] =	sst s2  }
0x8f: {  	_ = 	snop  }
0x90: {  	(tm) =	ssettm $0x1  }
0x91: {  	s17 =	sld [smem:$0x3FFB];
	_ =	sdelay $0x3  }
0x92: {  	_ =	strace s17  }
0x93: {  	s2 =	sld [smem:$0x3FFC];
	_ =	sdelay $0x3  }
0x94: {  	_ =	strace s2  }
0x95: {  	s2 =	sld [smem:$0x3FFD];
	_ =	sdelay $0x3  }
0x96: {  	_ =	strace s2  }
0x97: {  	_ =	strace $0x8FFFFFFF  }
0x98: {  	s18 =	sld [smem:$0x3FDB];
	_ =	sdelay $0x1  }
0x99: {  	s19 =	simm.s32 $_scs_section_size  }
0x9a: {  	s4 =	simm.s32 $_size__tile_overlayer_lowered;
	s5 =	simm.s32 $_tile_overlayer_lowered  }
0x9b: {  	s22 =	simm.s32 $0x1BFF;
	s21 =	sshll.u32 s5, $0x1;
	s2 =	sadd.s32 s19, s18  }
0x9c: {  	s6 =	simm.s32 $0x0;
	s20 =	sshll.u32 s4, $0x1;
	s4 =	sadd.s32 s21, s2  }
0x9d: {  	[timem:s6], [sflag:s22] =	dma.local [hbm:s4], s20  }
0x9e: {  	_ =	swait.ge [sflag:s22], s20  }
0x9f: {  	s3 =	ssub.s32 $0x0, s20;
	[sflag:s22] =	ssyncset.done $0x0  }
0xa0: {  	[sflag:s22] =	ssyncadd.s32 s3;
	_ =	sdelay $0x1  }
0xa1: {  	s23 =	simm.s32 $0x1B8B  }
0xa2: {  	_ =	swait.ge [sflag:s23], $0x1  }
0xa3: {  	[sflag:s23] =	ssyncset.done $0x0  }
0xa4: {  	s25 =	simm.s32 $0x1B8E;
	s24 =	sld [smem:$0x3FFE];
	[sflag:s23] =	ssyncadd.s32 $0xFFFFFFFF  }
0xa5: {  	s26 =	simm.s32 $execute0_lowered;
	[smem:$0x3FD2] =	sst s25  }
0xa6: {  	s4 =	sshll.u32 s26, $0x1;
	_ =	strace $0x80000046;
	[dreg:$0x1] =	wrdreg $0xFFFFFFFF  }
0xa7: {  	s28 =	simm.s32 $_size_execute0_lowered;
	s2 =	sadd.s32 s2, s4;
	[dreg:$0x0] =	wrdreg $0x0  }
0xa8: {  	s4 =	sshll.u32 s28, $0x1;
	[dreg:$0x2] =	wrdreg s2  }
0xa9: {  	[dreg:$0x3] =	wrdreg s4  }
0xaa: {  	[dreg:$0x4] =	wrdreg $0xC0  }
0xab: {  	_ =	task [dreg:s6], $0x5FFFF  }
0xac: {  	[dreg:$0x1] =	wrdreg $0xFFFFFFFF  }
0xad: {  	[dreg:$0x0] =	wrdreg $0x60  }
0xae: {  	[dreg:$0x2] =	wrdreg s24  }
0xaf: {  	[dreg:$0x3] =	wrdreg $0x68000  }
0xb0: {  	[dreg:$0x4] =	wrdreg $0x9  }
0xb1: {  	_ =	task.clear_ibuf [dreg:s6], $0x5FFFF;
	_ =	strace $0x90000046  }
0xb2: {  	s29 =	simm.s32 $0x9;
	_ =	strace $0x80000048  }
0xb3: {  	_ =	swait.ge [sflag:s29], $0x1  }
0xb4: {  	[sflag:s29] =	ssyncadd.s32 $0xFFFFFFFF  }
0xb5: {  	_ =	strace $0x90000048  }
0xb6: {  	_ =	sfence  }
0xb7: {  	s30 =	sld [smem:$0x0];
	_ =	sdelay $0x2  }
0xb8: {  	s31 =	sshll.u32 s1, $0xD;
	s1 =	sshrl.u32 s1, $0x2  }
0xb9: {  	s3 =	sand.u32 $0x4000, s31;
	s1 =	sadd.s32 s1, s30  }
0xba: {  	s0 =	sor.u32 s3, s0;
	s1 =	sshll.u32 s1, $0x11  }
0xbb: {  	s0 =	sor.u32 s1, s0  }
0xbc: {  	s0 =	sadd.s32 $0x8F2B, s0  }
0xbd: {  	[sflag:s0] =	ssyncadd.remote.s32 $0x1  }
0xbe: {  	_ =	sfence.sel $0xFFFF  }
0xbf: {  	[dreg:$0x0] =	wrdreg $0xFFFFFFFF;
	(pc) =	sbr.abs _section_cstart, $3  }
0xc0: {  	[dreg:$0x1] =	wrdreg $0xFFFFFFFF  }
0xc1: {  	_ =	task.clear_ibuf [dreg:s6], $0x2FFFF;
	_ =	strace $0x9FFFFFFF  }
0xc2: {  	(tm) =	ssettm $0x7FFFFFFF  }
0xc3: {  	_ =	shalt  }
tec
execute0_lowered:
.L_overlay_start_1:
0x0: {  	(tag) =	ssettag $0x1  }
0x1: {  	s6 =	rddreg [dreg:$0x0]  }
0x2: {  	s0 =	srdreg.scid;
	s2 =	rddreg [dreg:$0x1]  }
0x3: {  	s1 =	rddreg [dreg:$0x2];
	s3 =	simm.s32 $0x0;
	s5 =	sand.u32 $0x1, s0  }
0x4: {  	s13 =	simm.s32 $0x2800;
	s0 =	stileid.u32;
	s4 =	smul.u32 $0x28000, s5  }
0x5: {  	s14 =	simm.s32 $0x80;
	s15 =	simm.s32 $0x1;
	s7 =	smul.u32 $0x2800, s0  }
0x6: {  	s16 =	simm.s32 $0x0;
	[smem:$0x7FF] =	sst s3;
	s29 =	smul.u32 $0x27100, s5  }
0x7: {  	_ =	strace $0x80000047;
	s8 =	smul.u32 $0x3E80, s0;
	s10 =	ssub.s32 $0x2, s5  }
0x8: {  	s11 =	smul.u32 $0x7D000, s0;
	s5 =	sadd.s32 $0xB800, s6;
	p0 =	sgt.u32 s0, $0x9  }
0x9: {  	s30 =	sshrl.u32 s10, $0x1;
	p1 =	sne.s32 @p0 s0, $0xA;
	s12 =	sshll.u32 @!p0 s0, $0x6  }
0xa: {  	s4 =	sadd.s32 s7, s4;
	s7 =	sadd.s32 s8, s29;
	s8 =	ssub.s32 s10, s30  }
0xb: {  	s10 =	sadd.s32 $0x138800, s2;
	s31 =	sshrl.u32 s11, $0x2;
	p1 =	por p1, !p0  }
0xc: {  	s4 =	sshrl.u32 s4, $0x3;
	s7 =	sadd.s32 s7, s6;
	s11 =	sadd.s32 s31, s2  }
0xd: {  	s8 =	smax.u32 s8, $0x1;
	s9 =	sadd.s32 s4, s6;
	s4 =	sadd.s32 $0xC000, s6  }
0xe: {  	s7 =	sadd.s32 $0x10000, s7;
	s11 =	sshrl.u32 @!p0 s11, $0x3;
	s6 =	sadd.s32 $0x1800, s9  }
0xf: {  	s9 =	sshrl.u32 @!p1 s10, $0x3;
	s10 =	sor.u32 @!p0 $0x1C02, s12;
	s12 =	simm.s32 $0x2  }
.LBB2_1:
0x10: {  	s17 =	simm.s32 @!p1 $0x1E82  }
0x11: {  	[spmem:s9], [sflag:s17] =	dma.local @!p1 [hbm:s4], $0x80  }
0x12: {  	s17 =	simm.s32 @!p1 $0x2  }
0x13: {  	_ =	swait.ge @!p1 [sflag:s17], $0x80  }
0x14: {  	[sflag:s17] =	ssyncset.done @!p1 $0x0  }
0x15: {  	[sflag:s17] =	ssyncadd.s32 @!p1 $0xFFFFFF80;
	s17 =	simm.s32 @!p0 $0x2  }
0x16: {  	[spmem:s11], [sflag:s10] =	dma.local @!p0 [hbm:s4], $0x3E80  }
0x17: {  	_ =	swait.ge @!p0 [sflag:s17], $0x3E80  }
0x18: {  	[sflag:s17] =	ssyncset.done @!p0 $0x0  }
0x19: {  	[sflag:s17] =	ssyncadd.s32 @!p0 $0xFFFFC180  }
0x1a: {  	[bflag:$0x0] =	sbarrier.arrive $0xFFFF  }
0x1b: {  	[tilespmem:s3], [sflag:$0x2] =	stream.linear.gather [hbm4b:s6+s3], $0x2800, $0x38;
	[tilespmem:$0x1A0C0] =	vst v63  }
0x1c: {  	_ =	swait.ge [sflag:s12], $0x2800  }
0x1d: {  	[sflag:s12] =	ssyncset.done $0x0  }
0x1e: {  	[sflag:s12] =	ssyncadd.s32 $0xFFFFD800  }
0x1f: {  	[tilespmem:s13], [sflag:$0x2] =	stream.linear.gather [hbm4b:s5+s3], $0x4000, $0x38;
	[tilespmem:$0x1A0C0] =	vst v63  }
0x20: {  	_ =	swait.ge [sflag:s12], $0x4000  }
0x21: {  	[sflag:s12] =	ssyncset.done $0x0  }
0x22: {  	s17 =	simm.s32 $0x0;
	[sflag:s12] =	ssyncadd.s32 $0xFFFFC000  }
.LBB2_2:
0x23: {  	p2 =	sne.s32 s17, $0x9E00  }
.Ltmp0:
0x24: {  	_ = 	snop;
	(pc) =	sbr.rel @p2 .LBB2_2-.Ltmp0, $3  }
0x25: {  	_ =	sdelay $0x1  }
0x26: {  	s18 =	sshra.s32 s17, $0x2;
	s17 =	sadd.s32 $0x200, s17  }
0x27: {  	[spmem:s2] =	stream.indirect.scatter.add.f32 [tilespmem:s13], [sflag:$0x1], $0x80, s18, s14, $0xb8;
	[tilespmem:$0x1A0C0] =	vst v63  }
0x28: {  	_ =	swait.ge [sflag:s15], $0x4000  }
0x29: {  	s17 =	simm.s32 $0x4F;
	[sflag:s15] =	ssyncset.done $0x0  }
.LBB2_4:
0x2a: {  	p2 =	sne.s32 s17, $0x1;
	s17 =	sadd.s32 $0xFFFFFFFF, s17;
	[sflag:s15] =	ssyncadd.s32 $0xFFFFC000  }
.Ltmp1:
0x2b: {  	(pc) =	sbr.rel @p2 .LBB2_4-.Ltmp1, $3  }
0x2c: {  	_ =	sdelay $0x1  }
0x2d: {  	_ =	swait.ge [sflag:s15], $0x4000  }
0x2e: {  	[sflag:s15] =	ssyncset.done $0x0  }
0x2f: {  	s16 =	sadd.s32 $0x1, s16  }
0x30: {  	[sflag:s15] =	ssyncadd.s32 $0xFFFFC000;
	p2 =	sne.s32 s16, s8  }
.Ltmp2:
0x31: {  	s17 =	simm.s32 @!p0 $0x2;
	[bflag:$0x0] =	sbarrier.arrive $0xFFFF;
	(pc) =	sbr.rel @p2 .LBB2_1-.Ltmp2, $4  }
0x32: {  	[hbm:s7], [sflag:s10] =	dma.local @!p0 [spmem:s11], $0x3E80  }
0x33: {  	_ =	swait.ge @!p0 [sflag:s17], $0x3E80  }
0x34: {  	[sflag:s17] =	ssyncset.done @!p0 $0x0  }
0x35: {  	[sflag:s17] =	ssyncadd.s32 @!p0 $0xFFFFC180  }
0x36: {  	_ =	sfence.sel $0x180000  }
0x37: {  	[bflag:$0x0] =	sbarrier.arrive $0xFFFF  }
0x38: {  	p0 =	sne.s32 s0, $0x0;
	_ =	strace $0x90000047  }
0x39: {  	s0 =	sadd.s32 @!p0 $0x100000, s1;
	[bflag:$0x2] =	sbarrier.arrive $0xFFFF  }
0x3a: {  	[sflag:s0] =	ssyncadd.tile.s32 @!p0 $0x1;
	_ =	shalt  }
.Lfunc_end2:
_tile_overlayer_lowered:
.L_overlay_start_2:
0x3b: {  	(tag) =	ssettag $0x2  }
0x3c: {  	s0 =	rddreg [dreg:$0x0];
	s2 =	stileid.u32  }
0x3d: {  	s1 =	rddreg [dreg:$0x1];
	p0 =	sne.s32 s2, $0x0  }
0x3e: {  	s3 =	rddreg [dreg:$0x2];
	[bflag:$0x3] =	sbarrier.arrive $0xFFFF;
	s2 =	simm.s32 @!p0 $0x1C02  }
0x3f: {  	[timem:s3], [sflag:s2] =	dma.local @!p0 [hbm:s0], s1  }
0x40: {  	s0 =	simm.s32 @!p0 $0x2  }
0x41: {  	_ =	swait.ge @!p0 [sflag:s0], s1  }
0x42: {  	s1 =	ssub.s32 @!p0 $0x0, s1;
	[sflag:s0] =	ssyncset.done @!p0 $0x0  }
0x43: {  	[sflag:s0] =	ssyncadd.s32 @!p0 s1  }
0x44: {  	[bflag:$0x3] =	sbarrier.arrive $0xFFFF  }
0x45: {  	_ =	shalt  }

</sc_bundles>
